<compile_context>
chip_gen: v7x
topology: tpu7x:2x2x1
jax: 0.10.2.dev20260603
libtpu: 0.0.44.dev20260713+nightly
codegen_flags: <defaults>
</compile_context>

<pallas_src>
import jax
import jax.numpy as jnp
from jax import lax
from jax.experimental import pallas as pl
from jax.experimental.pallas import tpu as pltpu
from jax.experimental.pallas import tpu_sc as plsc

ND = 2000
NPRO = 8000
NV = ND + NPRO
FEAT = 128
E = 320000
NTILES = 32
EPT = E // NTILES
CH = 128
BUF = EPT + 2 * CH
NACC = 1
NC = 2048
AROWS = ND + 8


def _mlp_table_body(dF_ref, W1_ref, b1_ref, W2_ref, b2_ref, pE_ref, out_ref):
    h = jnp.maximum(dF_ref[...] @ W1_ref[...] + b1_ref[...][None, :], 0.0)
    h = jnp.maximum(h @ W2_ref[...] + b2_ref[...][None, :], 0.0)
    out_ref[0:ND, :] = h
    out_ref[ND:NV, :] = pE_ref[...]


def _sc_segsum_body(edge_ref, table_ref, zeros_ref, zc_ref,
                    sums_ref, cnts_ref,
                    src_in, dst_in, src_c, dst_c, didx, rows, cnt_l,
                    acc_sh, sg):
    cid = lax.axis_index("c")
    sid = lax.axis_index("s")
    wid = sid * 2 + cid

    with jax.named_scope("sc_init"):
        @pl.when(sid == 0)
        def _():
            pltpu.sync_copy(zeros_ref, acc_sh)

        pltpu.sync_copy(zc_ref, cnt_l)

        plsc.subcore_barrier()

        pltpu.sync_copy(edge_ref.at[0, wid], src_in)
        pltpu.sync_copy(edge_ref.at[1, wid], dst_in)

    ones16 = jnp.ones((16,), jnp.float32)

    def filt(i, off):
        sv = src_in[pl.ds(i * 16, 16)]
        dv = dst_in[pl.ds(i * 16, 16)]
        m = dv < ND
        plsc.store_compressed(src_c.at[pl.ds(off, 16)], sv, mask=m)
        plsc.store_compressed(dst_c.at[pl.ds(off, 16)], dv, mask=m)
        dvc = jnp.minimum(dv, NC - 1)
        plsc.addupdate_scatter(cnt_l, [dvc], ones16, mask=m)
        return off + jnp.sum(m.astype(jnp.int32))

    with jax.named_scope("sc_filter"):
        cnt = lax.fori_loop(0, EPT // 16, filt, 0)

    zsrc = jnp.zeros((16,), jnp.int32)
    tdst = jnp.full((16,), ND, jnp.int32)
    for k in range(CH // 16):
        src_c[pl.ds(cnt + k * 16, 16)] = zsrc
        dst_c[pl.ds(cnt + k * 16, 16)] = tdst

    nch = lax.shift_right_logical(cnt + (CH - 1), 7)
    arow0 = (sid % NACC) * AROWS

    def chunk(j, carry):
        dma = pltpu.async_copy(
            table_ref.at[src_c.at[pl.ds(j * CH, CH)]], rows, sg)
        for v in range(CH // 16):
            didx[pl.ds(v * 16, 16)] = (
                dst_c[pl.ds(j * CH + v * 16, 16)] + arow0)
        dma.wait()
        pltpu.sync_copy(rows, acc_sh.at[didx], add=True)
        return carry

    with jax.named_scope("sc_chunks"):
        lax.fori_loop(0, nch, chunk, 0)

    pltpu.sync_copy(cnt_l, cnts_ref.at[wid])

    plsc.subcore_barrier()

    @pl.when(sid == 0)
    def _():
        for a in range(NACC):
            pltpu.sync_copy(acc_sh.at[pl.ds(a * AROWS, ND)],
                            sums_ref.at[cid, a])


def _final_body(sums_ref, cnt_ref, dF_ref, Wl_ref, bl_ref, Wr_ref, out_ref):
    s = jnp.sum(sums_ref[...], axis=(0, 1))
    cnt = jnp.sum(cnt_ref[...], axis=0)[0:ND]
    mean = s / jnp.maximum(cnt, 1.0)[:, None]
    out_ref[...] = jnp.maximum(
        mean @ Wl_ref[...] + bl_ref[...][None, :] + dF_ref[...] @ Wr_ref[...],
        0.0)


def kernel(edge_index, drugFeatures, W1, b1, W2, b2, protEmb,
           Wl0, bl0, Wr0, Wl1, bl1, Wr1):
    ei = edge_index.astype(jnp.int32).reshape(2, NTILES, EPT)

    table = pl.pallas_call(
        _mlp_table_body,
        out_shape=jax.ShapeDtypeStruct((NV, FEAT), jnp.float32),
    )(drugFeatures, W1, b1, W2, b2, protEmb)

    zeros = jnp.zeros((NACC * AROWS, FEAT), jnp.float32)
    zc = jnp.zeros((NC,), jnp.float32)
    mesh = plsc.VectorSubcoreMesh(core_axis_name="c", subcore_axis_name="s")
    sums, cnts = pl.kernel(
        _sc_segsum_body,
        out_type=(
            jax.ShapeDtypeStruct((2, NACC, ND, FEAT), jnp.float32),
            jax.ShapeDtypeStruct((NTILES, NC), jnp.float32),
        ),
        mesh=mesh,
        compiler_params=pltpu.CompilerParams(needs_layout_passes=False),
        scratch_types=[
            pltpu.VMEM((EPT,), jnp.int32),
            pltpu.VMEM((EPT,), jnp.int32),
            pltpu.VMEM((BUF,), jnp.int32),
            pltpu.VMEM((BUF,), jnp.int32),
            pltpu.VMEM((CH,), jnp.int32),
            pltpu.VMEM((CH, FEAT), jnp.float32),
            pltpu.VMEM((NC,), jnp.float32),
            pltpu.VMEM_SHARED((NACC * AROWS, FEAT), jnp.float32),
            pltpu.SemaphoreType.DMA,
        ],
    )(ei, table, zeros, zc)

    out = pl.pallas_call(
        _final_body,
        out_shape=jax.ShapeDtypeStruct((ND, FEAT), jnp.float32),
        grid=(1,),
        in_specs=[
            pl.BlockSpec((2, NACC, ND, FEAT), lambda i: (0, 0, 0, 0)),
            pl.BlockSpec((NTILES, NC), lambda i: (0, 0)),
            pl.BlockSpec((ND, FEAT), lambda i: (0, 0)),
            pl.BlockSpec((FEAT, FEAT), lambda i: (0, 0)),
            pl.BlockSpec((FEAT,), lambda i: (0,)),
            pl.BlockSpec((FEAT, FEAT), lambda i: (0, 0)),
        ],
        out_specs=pl.BlockSpec((ND, FEAT), lambda i: (0, 0)),
    )(sums, cnts, table, Wl1, bl1, Wr1)
    return out

# --- scband reference (transcript-rebuilt; emitter-appended) ---
"""Pipeline reference for scband-decagon-34059090657400 (READ-ONLY COPY).

The authoritative reference and input builder live on the scoring server;
editing this copy changes nothing except your own understanding.
"""

import jax, jax.numpy as jnp
import numpy as np

ND = 2000
NPRO = 8000
NSE = 964
NV = ND + NPRO
FEAT = 128
EMB = 128
E = 320000


def setup_inputs(seed: int = 0) -> dict:
    key = jax.random.key(seed)
    ks = [jax.random.fold_in(key, i) for i in range(16)]
    inp = {}
    inp["edge_index"] = jax.random.randint(ks[0], (2, E), 0, NV).astype(jnp.int64)
    inp["drugFeatures"] = jax.random.normal(ks[1], (ND, FEAT), dtype=jnp.float32)
    # learned parameters
    inp["W1"] = jax.random.normal(ks[2], (FEAT, EMB), dtype=jnp.float32) * 0.05
    inp["b1"] = jnp.zeros((EMB,), dtype=jnp.float32)
    inp["W2"] = jax.random.normal(ks[3], (EMB, EMB), dtype=jnp.float32) * 0.05
    inp["b2"] = jnp.zeros((EMB,), dtype=jnp.float32)
    inp["protEmb"] = jax.random.uniform(ks[4], (NPRO, EMB), dtype=jnp.float32, minval=0.001, maxval=0.3)
    # SAGEConv layer 0: lin_l (on aggregated neighbors, with bias), lin_r (on root, no bias)
    inp["Wl0"] = jax.random.normal(ks[5], (EMB, EMB), dtype=jnp.float32) * 0.05
    inp["bl0"] = jnp.zeros((EMB,), dtype=jnp.float32)
    inp["Wr0"] = jax.random.normal(ks[6], (EMB, EMB), dtype=jnp.float32) * 0.05
    # SAGEConv layer 1
    inp["Wl1"] = jax.random.normal(ks[7], (EMB, EMB), dtype=jnp.float32) * 0.05
    inp["bl1"] = jnp.zeros((EMB,), dtype=jnp.float32)
    inp["Wr1"] = jax.random.normal(ks[8], (EMB, EMB), dtype=jnp.float32) * 0.05
    return inp


def _sage_conv(x, edge_index, Wl, bl, Wr):
    # PyG SAGEConv with mean aggregation: out = lin_l(mean_neighbors) + lin_r(x)
    src = edge_index[0]
    dst = edge_index[1]
    msgs = jnp.take(x, src, axis=0)
    sums = jax.ops.segment_sum(msgs, dst, num_segments=NV)
    cnts = jax.ops.segment_sum(jnp.ones((edge_index.shape[1], 1), dtype=x.dtype), dst, num_segments=NV)
    mean = sums / jnp.clip(cnts, 1.0)
    return mean @ Wl + bl + x @ Wr


def reference(edge_index, drugFeatures, W1, b1, W2, b2, protEmb, Wl0, bl0, Wr0, Wl1, bl1, Wr1):
    # forward1 of Decagon
    drugF = jax.nn.relu(drugFeatures @ W1 + b1)
    drugF = jax.nn.relu(drugF @ W2 + b2)
    xF = jnp.concatenate([drugF, protEmb], axis=0)
    # NOTE: faithful to original code, each conv layer consumes xF (xF never updated)
    x = xF
    for (Wl, bl, Wr) in [(Wl0, bl0, Wr0), (Wl1, bl1, Wr1)]:
        x = _sage_conv(xF, edge_index, Wl, bl, Wr)
        x = jax.nn.relu(x)
    finalX = x[:ND]
    return finalX

if __name__ == "__main__":
    import jax
    _d = setup_inputs()
    print(jax.jit(kernel)(*tuple(_d.values())))

</pallas_src>

<mosaic_0001>
#map = affine_map<(d0, d1) -> (0, 0, 0)>
#map1 = affine_map<(d0, d1) -> (0, 0)>
#map2 = affine_map<(d0, d1) -> (0)>
#map3 = affine_map<(d0, d1) -> (0, 0, 0, 0)>
module attributes {stable_mosaic.version = 14 : i64} {
  func.func @_sc_segsum_body(%arg0: i32, %arg1: i32, %arg2: memref<2x32x10000xi32, #tpu.memory_space<hbm>>, %arg3: memref<10000x128xf32, #tpu.memory_space<hbm>>, %arg4: memref<2008x128xf32, #tpu.memory_space<hbm>>, %arg5: memref<2048xf32, #tpu.memory_space<hbm>>, %arg6: memref<2x1x2000x128xf32, #tpu.memory_space<hbm>>, %arg7: memref<32x2048xf32, #tpu.memory_space<hbm>>, %arg8: memref<10000xi32, #tpu.memory_space<vmem>>, %arg9: memref<10000xi32, #tpu.memory_space<vmem>>, %arg10: memref<10256xi32, #tpu.memory_space<vmem>>, %arg11: memref<10256xi32, #tpu.memory_space<vmem>>, %arg12: memref<128xi32, #tpu.memory_space<vmem>>, %arg13: memref<128x128xf32, #tpu.memory_space<vmem>>, %arg14: memref<2048xf32, #tpu.memory_space<vmem>>, %arg15: memref<2008x128xf32, #tpu.memory_space<vmem_shared>>, %arg16: memref<!tpu.dma_semaphore, #tpu.memory_space<semaphore_mem>>) attributes {dimension_semantics = [#tpu.dimension_semantics<core_parallel>, #tpu.dimension_semantics<subcore_parallel>], iteration_bounds = array<i64: 2, 16>, scalar_prefetch = 0 : i64, scratch_operands = 9 : i64, tpu.core_type = #tpu.core_type<sc_vector_subcore>, window_params = [{transform_indices = #map}, {transform_indices = #map1}, {transform_indices = #map1}, {transform_indices = #map2}, {transform_indices = #map3}, {transform_indices = #map1}]} {
    %mul3A = arith.constant 2 : i32
    %mul3A_0 = arith.muli %arg1, %mul3A : i32
    %add3A = arith.addi %mul3A_0, %arg0 : i32
    %eq3A = arith.constant 0 : i32
    "tpu.trace_start"() <{level = 10 : i32, message = "sc_init"}> : () -> ()
    %eq3A_1 = arith.cmpi eq, %arg1, %eq3A : i32
    %convert_element_type3A = arith.extui %eq3A_1 : i1 to i32
    %cond3A = arith.constant 0 : i32
    %cond3A_2 = arith.cmpi ne, %convert_element_type3A, %cond3A : i32
    scf.if %cond3A_2 {
      "tpu.region"() ({
        %run_scoped3A_108 = tpu.sem_alloc : memref<!tpu.dma_semaphore, #tpu.memory_space<semaphore_mem>>
        tpu.enqueue_dma source(%arg4 : memref<2008x128xf32, #tpu.memory_space<hbm>>) target(%arg15 : memref<2008x128xf32, #tpu.memory_space<vmem_shared>>) target_semaphore(%run_scoped3A_108 : memref<!tpu.dma_semaphore, #tpu.memory_space<semaphore_mem>>)
        tpu.wait_dma2 semaphore(%run_scoped3A_108 : memref<!tpu.dma_semaphore, #tpu.memory_space<semaphore_mem>>) src(%arg4 : memref<2008x128xf32, #tpu.memory_space<hbm>>) dst(%arg15 : memref<2008x128xf32, #tpu.memory_space<vmem_shared>>)
        tpu.yield
      }) : () -> ()
    } else {
    }
    "tpu.region"() ({
      %run_scoped3A_108 = tpu.sem_alloc : memref<!tpu.dma_semaphore, #tpu.memory_space<semaphore_mem>>
      tpu.enqueue_dma source(%arg5 : memref<2048xf32, #tpu.memory_space<hbm>>) target(%arg14 : memref<2048xf32, #tpu.memory_space<vmem>>) target_semaphore(%run_scoped3A_108 : memref<!tpu.dma_semaphore, #tpu.memory_space<semaphore_mem>>)
      tpu.wait_dma2 semaphore(%run_scoped3A_108 : memref<!tpu.dma_semaphore, #tpu.memory_space<semaphore_mem>>) src(%arg5 : memref<2048xf32, #tpu.memory_space<hbm>>) dst(%arg14 : memref<2048xf32, #tpu.memory_space<vmem>>)
      tpu.yield
    }) : () -> ()
    %barrier3A = arith.constant 0 : index
    tpu.barrier barrier_id(%barrier3A)
    %run_scoped3A = arith.constant 0 : i32
    "tpu.region"() ({
      %run_scoped3A_108 = tpu.sem_alloc : memref<!tpu.dma_semaphore, #tpu.memory_space<semaphore_mem>>
      %dma_start3A = arith.constant 0 : i32
      %dma_start3A_109 = tpu.memref_slice %arg2[%run_scoped3A, %add3A, %dma_start3A] : memref<2x32x10000xi32, #tpu.memory_space<hbm>> -> memref<1x1x10000xi32, #tpu.memory_space<hbm>>
      %dma_start3A_110 = tpu.memref_squeeze %dma_start3A_109 : memref<1x1x10000xi32, #tpu.memory_space<hbm>> -> memref<10000xi32, #tpu.memory_space<hbm>>
      %dma_start3A_111 = arith.constant 0 : i32
      %dma_start3A_112 = tpu.memref_slice %arg2[%run_scoped3A, %add3A, %dma_start3A_111] : memref<2x32x10000xi32, #tpu.memory_space<hbm>> -> memref<1x1x10000xi32, #tpu.memory_space<hbm>>
      %dma_start3A_113 = tpu.memref_squeeze %dma_start3A_112 : memref<1x1x10000xi32, #tpu.memory_space<hbm>> -> memref<10000xi32, #tpu.memory_space<hbm>>
      tpu.enqueue_dma source(%dma_start3A_113 : memref<10000xi32, #tpu.memory_space<hbm>>) target(%arg8 : memref<10000xi32, #tpu.memory_space<vmem>>) target_semaphore(%run_scoped3A_108 : memref<!tpu.dma_semaphore, #tpu.memory_space<semaphore_mem>>)
      %dma_wait3A = arith.constant 0 : i32
      %dma_wait3A_114 = tpu.memref_slice %arg2[%run_scoped3A, %add3A, %dma_wait3A] : memref<2x32x10000xi32, #tpu.memory_space<hbm>> -> memref<1x1x10000xi32, #tpu.memory_space<hbm>>
      %dma_wait3A_115 = tpu.memref_squeeze %dma_wait3A_114 : memref<1x1x10000xi32, #tpu.memory_space<hbm>> -> memref<10000xi32, #tpu.memory_space<hbm>>
      %dma_wait3A_116 = arith.constant 0 : i32
      %dma_wait3A_117 = tpu.memref_slice %arg2[%run_scoped3A, %add3A, %dma_wait3A_116] : memref<2x32x10000xi32, #tpu.memory_space<hbm>> -> memref<1x1x10000xi32, #tpu.memory_space<hbm>>
      %dma_wait3A_118 = tpu.memref_squeeze %dma_wait3A_117 : memref<1x1x10000xi32, #tpu.memory_space<hbm>> -> memref<10000xi32, #tpu.memory_space<hbm>>
      tpu.wait_dma2 semaphore(%run_scoped3A_108 : memref<!tpu.dma_semaphore, #tpu.memory_space<semaphore_mem>>) src(%dma_wait3A_118 : memref<10000xi32, #tpu.memory_space<hbm>>) dst(%arg8 : memref<10000xi32, #tpu.memory_space<vmem>>)
      tpu.yield
    }) : () -> ()
    %run_scoped3A_3 = arith.constant 1 : i32
    "tpu.region"() ({
      %run_scoped3A_108 = tpu.sem_alloc : memref<!tpu.dma_semaphore, #tpu.memory_space<semaphore_mem>>
      %dma_start3A = arith.constant 0 : i32
      %dma_start3A_109 = tpu.memref_slice %arg2[%run_scoped3A_3, %add3A, %dma_start3A] : memref<2x32x10000xi32, #tpu.memory_space<hbm>> -> memref<1x1x10000xi32, #tpu.memory_space<hbm>>
      %dma_start3A_110 = tpu.memref_squeeze %dma_start3A_109 : memref<1x1x10000xi32, #tpu.memory_space<hbm>> -> memref<10000xi32, #tpu.memory_space<hbm>>
      %dma_start3A_111 = arith.constant 0 : i32
      %dma_start3A_112 = tpu.memref_slice %arg2[%run_scoped3A_3, %add3A, %dma_start3A_111] : memref<2x32x10000xi32, #tpu.memory_space<hbm>> -> memref<1x1x10000xi32, #tpu.memory_space<hbm>>
      %dma_start3A_113 = tpu.memref_squeeze %dma_start3A_112 : memref<1x1x10000xi32, #tpu.memory_space<hbm>> -> memref<10000xi32, #tpu.memory_space<hbm>>
      tpu.enqueue_dma source(%dma_start3A_113 : memref<10000xi32, #tpu.memory_space<hbm>>) target(%arg9 : memref<10000xi32, #tpu.memory_space<vmem>>) target_semaphore(%run_scoped3A_108 : memref<!tpu.dma_semaphore, #tpu.memory_space<semaphore_mem>>)
      %dma_wait3A = arith.constant 0 : i32
      %dma_wait3A_114 = tpu.memref_slice %arg2[%run_scoped3A_3, %add3A, %dma_wait3A] : memref<2x32x10000xi32, #tpu.memory_space<hbm>> -> memref<1x1x10000xi32, #tpu.memory_space<hbm>>
      %dma_wait3A_115 = tpu.memref_squeeze %dma_wait3A_114 : memref<1x1x10000xi32, #tpu.memory_space<hbm>> -> memref<10000xi32, #tpu.memory_space<hbm>>
      %dma_wait3A_116 = arith.constant 0 : i32
      %dma_wait3A_117 = tpu.memref_slice %arg2[%run_scoped3A_3, %add3A, %dma_wait3A_116] : memref<2x32x10000xi32, #tpu.memory_space<hbm>> -> memref<1x1x10000xi32, #tpu.memory_space<hbm>>
      %dma_wait3A_118 = tpu.memref_squeeze %dma_wait3A_117 : memref<1x1x10000xi32, #tpu.memory_space<hbm>> -> memref<10000xi32, #tpu.memory_space<hbm>>
      tpu.wait_dma2 semaphore(%run_scoped3A_108 : memref<!tpu.dma_semaphore, #tpu.memory_space<semaphore_mem>>) src(%dma_wait3A_118 : memref<10000xi32, #tpu.memory_space<hbm>>) dst(%arg9 : memref<10000xi32, #tpu.memory_space<vmem>>)
      tpu.yield
    }) : () -> ()
    %broadcast_in_dim3A = arith.constant 1.000000e+00 : f32
    "tpu.trace_stop"() : () -> ()
    %broadcast_in_dim3A_4 = vector.broadcast %broadcast_in_dim3A : f32 to vector<16xf32>
    "tpu.trace_start"() <{level = 10 : i32, message = "sc_filter"}> : () -> ()
    %scan3A = arith.constant 0 : i32
    %scan3A_5 = arith.constant 0 : i32
    %scan3A_6 = arith.constant 625 : i32
    %scan3A_7 = arith.addi %scan3A_5, %scan3A_6 : i32
    %scan3A_8 = arith.constant 1 : i32
    %scan3A_9 = scf.for %scan3A_108 = %scan3A_5 to %scan3A_7 step %scan3A_8 iter_args(%scan3A_109 = %scan3A) -> (i32)  : i32 {
      %mul3A_110 = arith.constant 16 : i32
      %mul3A_111 = arith.muli %scan3A_108, %mul3A_110 : i32
      %get3A = arith.index_cast %mul3A_111 : i32 to index
      %get3A_112 = tpu.vector_load %arg8[%get3A] {strides = array<i32>} : memref<10000xi32, #tpu.memory_space<vmem>>, vector<16xi32>,
      %mul3A_113 = arith.constant 16 : i32
      %mul3A_114 = arith.muli %scan3A_108, %mul3A_113 : i32
      %get3A_115 = arith.index_cast %mul3A_114 : i32 to index
      %get3A_116 = tpu.vector_load %arg9[%get3A_115] {strides = array<i32>} : memref<10000xi32, #tpu.memory_space<vmem>>, vector<16xi32>,
      %lt3A_117 = arith.constant 2000 : i32
      %lt3A_118 = vector.broadcast %lt3A_117 : i32 to vector<16xi32>
      %lt3A_119 = arith.cmpi slt, %get3A_116, %lt3A_118 : vector<16xi32>
      %swap3A_120 = arith.index_cast %scan3A_109 : i32 to index
      %swap3A_121 = tpu.vector_load %arg10[%swap3A_120] masked %lt3A_119 {strides = array<i32>} : memref<10256xi32, #tpu.memory_space<vmem>>, vector<16xi32>, vector<16xi1>
      tpu.vector_store %arg10[%swap3A_120], %get3A_112 masked %lt3A_119 {strides = array<i32>} : memref<10256xi32, #tpu.memory_space<vmem>>, vector<16xi32>, vector<16xi1>
      %swap3A_122 = arith.index_cast %scan3A_109 : i32 to index
      %swap3A_123 = tpu.vector_load %arg11[%swap3A_122] masked %lt3A_119 {strides = array<i32>} : memref<10256xi32, #tpu.memory_space<vmem>>, vector<16xi32>, vector<16xi1>
      tpu.vector_store %arg11[%swap3A_122], %get3A_116 masked %lt3A_119 {strides = array<i32>} : memref<10256xi32, #tpu.memory_space<vmem>>, vector<16xi32>, vector<16xi1>
      %min3A = arith.constant 2047 : i32
      %min3A_124 = vector.broadcast %min3A : i32 to vector<16xi32>
      %min3A_125 = arith.minsi %get3A_116, %min3A_124 : vector<16xi32>
      tpu.vector_store_idx %arg14[%min3A_125], %broadcast_in_dim3A_4 masked %lt3A_119 {add = true} : memref<2048xf32, #tpu.memory_space<vmem>>[vector<16xi32>], vector<16xf32>, vector<16xi1>
      %convert_element_type3A_126 = arith.extui %lt3A_119 : vector<16xi1> to vector<16xi32>
      %reduce_sum3A = arith.constant true
      %reduce_sum3A_127 = vector.broadcast %reduce_sum3A : i1 to vector<16xi1>
      %reduce_sum3A_128 = tpu.scan <sum>, %convert_element_type3A_126 masked %reduce_sum3A_127 : vector<16xi32>, vector<16xi1> -> vector<16xi32>
      %reduce_sum3A_129 = vector.extract %reduce_sum3A_128[15] : i32 from vector<16xi32>
      %add3A_130 = arith.addi %scan3A_109, %reduce_sum3A_129 : i32
      scf.yield %add3A_130 : i32
    }
    %scan3A_10 = arith.constant 625 : i32
    %broadcast_in_dim3A_11 = arith.constant 0 : i32
    "tpu.trace_stop"() : () -> ()
    %broadcast_in_dim3A_12 = vector.broadcast %broadcast_in_dim3A_11 : i32 to vector<16xi32>
    %broadcast_in_dim3A_13 = arith.constant 2000 : i32
    %broadcast_in_dim3A_14 = vector.broadcast %broadcast_in_dim3A_13 : i32 to vector<16xi32>
    %add3A_15 = arith.constant 0 : i32
    %add3A_16 = arith.addi %scan3A_9, %add3A_15 : i32
    %swap3A = arith.index_cast %add3A_16 : i32 to index
    %swap3A_17 = tpu.vector_load %arg10[%swap3A] {strides = array<i32>} : memref<10256xi32, #tpu.memory_space<vmem>>, vector<16xi32>,
    tpu.vector_store %arg10[%swap3A], %broadcast_in_dim3A_12 {strides = array<i32>} : memref<10256xi32, #tpu.memory_space<vmem>>, vector<16xi32>,
    %add3A_18 = arith.constant 0 : i32
    %add3A_19 = arith.addi %scan3A_9, %add3A_18 : i32
    %swap3A_20 = arith.index_cast %add3A_19 : i32 to index
    %swap3A_21 = tpu.vector_load %arg11[%swap3A_20] {strides = array<i32>} : memref<10256xi32, #tpu.memory_space<vmem>>, vector<16xi32>,
    tpu.vector_store %arg11[%swap3A_20], %broadcast_in_dim3A_14 {strides = array<i32>} : memref<10256xi32, #tpu.memory_space<vmem>>, vector<16xi32>,
    %add3A_22 = arith.constant 16 : i32
    %add3A_23 = arith.addi %scan3A_9, %add3A_22 : i32
    %swap3A_24 = arith.index_cast %add3A_23 : i32 to index
    %swap3A_25 = tpu.vector_load %arg10[%swap3A_24] {strides = array<i32>} : memref<10256xi32, #tpu.memory_space<vmem>>, vector<16xi32>,
    tpu.vector_store %arg10[%swap3A_24], %broadcast_in_dim3A_12 {strides = array<i32>} : memref<10256xi32, #tpu.memory_space<vmem>>, vector<16xi32>,
    %add3A_26 = arith.constant 16 : i32
    %add3A_27 = arith.addi %scan3A_9, %add3A_26 : i32
    %swap3A_28 = arith.index_cast %add3A_27 : i32 to index
    %swap3A_29 = tpu.vector_load %arg11[%swap3A_28] {strides = array<i32>} : memref<10256xi32, #tpu.memory_space<vmem>>, vector<16xi32>,
    tpu.vector_store %arg11[%swap3A_28], %broadcast_in_dim3A_14 {strides = array<i32>} : memref<10256xi32, #tpu.memory_space<vmem>>, vector<16xi32>,
    %add3A_30 = arith.constant 32 : i32
    %add3A_31 = arith.addi %scan3A_9, %add3A_30 : i32
    %swap3A_32 = arith.index_cast %add3A_31 : i32 to index
    %swap3A_33 = tpu.vector_load %arg10[%swap3A_32] {strides = array<i32>} : memref<10256xi32, #tpu.memory_space<vmem>>, vector<16xi32>,
    tpu.vector_store %arg10[%swap3A_32], %broadcast_in_dim3A_12 {strides = array<i32>} : memref<10256xi32, #tpu.memory_space<vmem>>, vector<16xi32>,
    %add3A_34 = arith.constant 32 : i32
    %add3A_35 = arith.addi %scan3A_9, %add3A_34 : i32
    %swap3A_36 = arith.index_cast %add3A_35 : i32 to index
    %swap3A_37 = tpu.vector_load %arg11[%swap3A_36] {strides = array<i32>} : memref<10256xi32, #tpu.memory_space<vmem>>, vector<16xi32>,
    tpu.vector_store %arg11[%swap3A_36], %broadcast_in_dim3A_14 {strides = array<i32>} : memref<10256xi32, #tpu.memory_space<vmem>>, vector<16xi32>,
    %add3A_38 = arith.constant 48 : i32
    %add3A_39 = arith.addi %scan3A_9, %add3A_38 : i32
    %swap3A_40 = arith.index_cast %add3A_39 : i32 to index
    %swap3A_41 = tpu.vector_load %arg10[%swap3A_40] {strides = array<i32>} : memref<10256xi32, #tpu.memory_space<vmem>>, vector<16xi32>,
    tpu.vector_store %arg10[%swap3A_40], %broadcast_in_dim3A_12 {strides = array<i32>} : memref<10256xi32, #tpu.memory_space<vmem>>, vector<16xi32>,
    %add3A_42 = arith.constant 48 : i32
    %add3A_43 = arith.addi %scan3A_9, %add3A_42 : i32
    %swap3A_44 = arith.index_cast %add3A_43 : i32 to index
    %swap3A_45 = tpu.vector_load %arg11[%swap3A_44] {strides = array<i32>} : memref<10256xi32, #tpu.memory_space<vmem>>, vector<16xi32>,
    tpu.vector_store %arg11[%swap3A_44], %broadcast_in_dim3A_14 {strides = array<i32>} : memref<10256xi32, #tpu.memory_space<vmem>>, vector<16xi32>,
    %add3A_46 = arith.constant 64 : i32
    %add3A_47 = arith.addi %scan3A_9, %add3A_46 : i32
    %swap3A_48 = arith.index_cast %add3A_47 : i32 to index
    %swap3A_49 = tpu.vector_load %arg10[%swap3A_48] {strides = array<i32>} : memref<10256xi32, #tpu.memory_space<vmem>>, vector<16xi32>,
    tpu.vector_store %arg10[%swap3A_48], %broadcast_in_dim3A_12 {strides = array<i32>} : memref<10256xi32, #tpu.memory_space<vmem>>, vector<16xi32>,
    %add3A_50 = arith.constant 64 : i32
    %add3A_51 = arith.addi %scan3A_9, %add3A_50 : i32
    %swap3A_52 = arith.index_cast %add3A_51 : i32 to index
    %swap3A_53 = tpu.vector_load %arg11[%swap3A_52] {strides = array<i32>} : memref<10256xi32, #tpu.memory_space<vmem>>, vector<16xi32>,
    tpu.vector_store %arg11[%swap3A_52], %broadcast_in_dim3A_14 {strides = array<i32>} : memref<10256xi32, #tpu.memory_space<vmem>>, vector<16xi32>,
    %add3A_54 = arith.constant 80 : i32
    %add3A_55 = arith.addi %scan3A_9, %add3A_54 : i32
    %swap3A_56 = arith.index_cast %add3A_55 : i32 to index
    %swap3A_57 = tpu.vector_load %arg10[%swap3A_56] {strides = array<i32>} : memref<10256xi32, #tpu.memory_space<vmem>>, vector<16xi32>,
    tpu.vector_store %arg10[%swap3A_56], %broadcast_in_dim3A_12 {strides = array<i32>} : memref<10256xi32, #tpu.memory_space<vmem>>, vector<16xi32>,
    %add3A_58 = arith.constant 80 : i32
    %add3A_59 = arith.addi %scan3A_9, %add3A_58 : i32
    %swap3A_60 = arith.index_cast %add3A_59 : i32 to index
    %swap3A_61 = tpu.vector_load %arg11[%swap3A_60] {strides = array<i32>} : memref<10256xi32, #tpu.memory_space<vmem>>, vector<16xi32>,
    tpu.vector_store %arg11[%swap3A_60], %broadcast_in_dim3A_14 {strides = array<i32>} : memref<10256xi32, #tpu.memory_space<vmem>>, vector<16xi32>,
    %add3A_62 = arith.constant 96 : i32
    %add3A_63 = arith.addi %scan3A_9, %add3A_62 : i32
    %swap3A_64 = arith.index_cast %add3A_63 : i32 to index
    %swap3A_65 = tpu.vector_load %arg10[%swap3A_64] {strides = array<i32>} : memref<10256xi32, #tpu.memory_space<vmem>>, vector<16xi32>,
    tpu.vector_store %arg10[%swap3A_64], %broadcast_in_dim3A_12 {strides = array<i32>} : memref<10256xi32, #tpu.memory_space<vmem>>, vector<16xi32>,
    %add3A_66 = arith.constant 96 : i32
    %add3A_67 = arith.addi %scan3A_9, %add3A_66 : i32
    %swap3A_68 = arith.index_cast %add3A_67 : i32 to index
    %swap3A_69 = tpu.vector_load %arg11[%swap3A_68] {strides = array<i32>} : memref<10256xi32, #tpu.memory_space<vmem>>, vector<16xi32>,
    tpu.vector_store %arg11[%swap3A_68], %broadcast_in_dim3A_14 {strides = array<i32>} : memref<10256xi32, #tpu.memory_space<vmem>>, vector<16xi32>,
    %add3A_70 = arith.constant 112 : i32
    %add3A_71 = arith.addi %scan3A_9, %add3A_70 : i32
    %swap3A_72 = arith.index_cast %add3A_71 : i32 to index
    %swap3A_73 = tpu.vector_load %arg10[%swap3A_72] {strides = array<i32>} : memref<10256xi32, #tpu.memory_space<vmem>>, vector<16xi32>,
    tpu.vector_store %arg10[%swap3A_72], %broadcast_in_dim3A_12 {strides = array<i32>} : memref<10256xi32, #tpu.memory_space<vmem>>, vector<16xi32>,
    %add3A_74 = arith.constant 112 : i32
    %add3A_75 = arith.addi %scan3A_9, %add3A_74 : i32
    %swap3A_76 = arith.index_cast %add3A_75 : i32 to index
    %swap3A_77 = tpu.vector_load %arg11[%swap3A_76] {strides = array<i32>} : memref<10256xi32, #tpu.memory_space<vmem>>, vector<16xi32>,
    tpu.vector_store %arg11[%swap3A_76], %broadcast_in_dim3A_14 {strides = array<i32>} : memref<10256xi32, #tpu.memory_space<vmem>>, vector<16xi32>,
    %add3A_78 = arith.constant 127 : i32
    %add3A_79 = arith.addi %scan3A_9, %add3A_78 : i32
    %shift_right_logical3A = arith.constant 7 : i32
    %shift_right_logical3A_80 = arith.shrui %add3A_79, %shift_right_logical3A : i32
    %jit3A = arith.constant 1 : i32
    %eq3A_81 = arith.constant 0 : i32
    %eq3A_82 = arith.cmpi eq, %jit3A, %eq3A_81 : i32
    %jit3A_83 = arith.constant 1 : i32
    %select_n3A = arith.select %eq3A_82, %jit3A_83, %jit3A : i32
    %rem3A = arith.remsi %arg1, %select_n3A : i32
    %ne3A = arith.constant 0 : i32
    %ne3A_84 = arith.cmpi ne, %rem3A, %ne3A : i32
    %lt3A = arith.constant 0 : i32
    %lt3A_85 = arith.cmpi slt, %rem3A, %lt3A : i32
    %lt3A_86 = arith.constant 0 : i32
    %lt3A_87 = arith.cmpi slt, %select_n3A, %lt3A_86 : i32
    %ne3A_88 = arith.xori %lt3A_85, %lt3A_87 : i1
    %and3A = arith.andi %ne3A_88, %ne3A_84 : i1
    %add3A_89 = arith.addi %rem3A, %select_n3A : i32
    %select_n3A_90 = arith.select %and3A, %add3A_89, %rem3A : i32
    %mul3A_91 = arith.constant 2008 : i32
    %mul3A_92 = arith.muli %select_n3A_90, %mul3A_91 : i32
    %while3A = arith.constant 0 : i32
    %while3A_93 = arith.constant 0 : i32
    "tpu.trace_start"() <{level = 10 : i32, message = "sc_chunks"}> : () -> ()
    %while3A_94 = arith.subi %shift_right_logical3A_80, %while3A_93 : i32
    %while3A_95 = arith.addi %while3A_93, %while3A_94 : i32
    %while3A_96 = arith.constant 1 : i32
    %while3A_97 = arith.divsi %while3A_94, %while3A_96 : i32
    %while3A_98 = arith.muli %while3A_97, %while3A_96 : i32
    %while3A_99 = arith.addi %while3A_93, %while3A_98 : i32
    %while3A_100 = arith.constant 1 : i32
    scf.for %while3A_108 = %while3A_93 to %while3A_99 step %while3A_100  : i32 {
      %mul3A_109 = arith.constant 128 : i32
      %mul3A_110 = arith.muli %while3A_108, %mul3A_109 : i32
      %dma_start3A = tpu.memref_slice %arg10[%mul3A_110] : memref<10256xi32, #tpu.memory_space<vmem>> -> memref<128xi32, #tpu.memory_space<vmem>>
      %dma_start3A_111 = arith.constant 0 : i32
      %dma_start3A_112 = arith.constant 0 : i32
      %dma_start3A_113 = tpu.memref_slice %arg3[%dma_start3A_111, %dma_start3A_112] : memref<10000x128xf32, #tpu.memory_space<hbm>> -> memref<10000x128xf32, #tpu.memory_space<hbm>>
      tpu.enqueue_indirect_dma source(%dma_start3A_113 : memref<10000x128xf32, #tpu.memory_space<hbm>>) target(%arg13 : memref<128x128xf32, #tpu.memory_space<vmem>>) offsets(%dma_start3A : memref<128xi32, #tpu.memory_space<vmem>>) semaphore(%arg16 : memref<!tpu.dma_semaphore, #tpu.memory_space<semaphore_mem>>)
      %mul3A_114 = arith.constant 128 : i32
      %mul3A_115 = arith.muli %while3A_108, %mul3A_114 : i32
      %add3A_116 = arith.constant 0 : i32
      %add3A_117 = arith.addi %mul3A_115, %add3A_116 : i32
      %get3A = arith.index_cast %add3A_117 : i32 to index
      %get3A_118 = tpu.vector_load %arg11[%get3A] {strides = array<i32>} : memref<10256xi32, #tpu.memory_space<vmem>>, vector<16xi32>,
      %add3A_119 = vector.broadcast %mul3A_92 : i32 to vector<16xi32>
      %add3A_120 = arith.addi %get3A_118, %add3A_119 : vector<16xi32>
      %swap3A_121 = arith.constant 0 : index
      %swap3A_122 = tpu.vector_load %arg12[%swap3A_121] {strides = array<i32>} : memref<128xi32, #tpu.memory_space<vmem>>, vector<16xi32>,
      tpu.vector_store %arg12[%swap3A_121], %add3A_120 {strides = array<i32>} : memref<128xi32, #tpu.memory_space<vmem>>, vector<16xi32>,
      %mul3A_123 = arith.constant 128 : i32
      %mul3A_124 = arith.muli %while3A_108, %mul3A_123 : i32
      %add3A_125 = arith.constant 16 : i32
      %add3A_126 = arith.addi %mul3A_124, %add3A_125 : i32
      %get3A_127 = arith.index_cast %add3A_126 : i32 to index
      %get3A_128 = tpu.vector_load %arg11[%get3A_127] {strides = array<i32>} : memref<10256xi32, #tpu.memory_space<vmem>>, vector<16xi32>,
      %add3A_129 = vector.broadcast %mul3A_92 : i32 to vector<16xi32>
      %add3A_130 = arith.addi %get3A_128, %add3A_129 : vector<16xi32>
      %swap3A_131 = arith.constant 16 : index
      %swap3A_132 = tpu.vector_load %arg12[%swap3A_131] {strides = array<i32>} : memref<128xi32, #tpu.memory_space<vmem>>, vector<16xi32>,
      tpu.vector_store %arg12[%swap3A_131], %add3A_130 {strides = array<i32>} : memref<128xi32, #tpu.memory_space<vmem>>, vector<16xi32>,
      %mul3A_133 = arith.constant 128 : i32
      %mul3A_134 = arith.muli %while3A_108, %mul3A_133 : i32
      %add3A_135 = arith.constant 32 : i32
      %add3A_136 = arith.addi %mul3A_134, %add3A_135 : i32
      %get3A_137 = arith.index_cast %add3A_136 : i32 to index
      %get3A_138 = tpu.vector_load %arg11[%get3A_137] {strides = array<i32>} : memref<10256xi32, #tpu.memory_space<vmem>>, vector<16xi32>,
      %add3A_139 = vector.broadcast %mul3A_92 : i32 to vector<16xi32>
      %add3A_140 = arith.addi %get3A_138, %add3A_139 : vector<16xi32>
      %swap3A_141 = arith.constant 32 : index
      %swap3A_142 = tpu.vector_load %arg12[%swap3A_141] {strides = array<i32>} : memref<128xi32, #tpu.memory_space<vmem>>, vector<16xi32>,
      tpu.vector_store %arg12[%swap3A_141], %add3A_140 {strides = array<i32>} : memref<128xi32, #tpu.memory_space<vmem>>, vector<16xi32>,
      %mul3A_143 = arith.constant 128 : i32
      %mul3A_144 = arith.muli %while3A_108, %mul3A_143 : i32
      %add3A_145 = arith.constant 48 : i32
      %add3A_146 = arith.addi %mul3A_144, %add3A_145 : i32
      %get3A_147 = arith.index_cast %add3A_146 : i32 to index
      %get3A_148 = tpu.vector_load %arg11[%get3A_147] {strides = array<i32>} : memref<10256xi32, #tpu.memory_space<vmem>>, vector<16xi32>,
      %add3A_149 = vector.broadcast %mul3A_92 : i32 to vector<16xi32>
      %add3A_150 = arith.addi %get3A_148, %add3A_149 : vector<16xi32>
      %swap3A_151 = arith.constant 48 : index
      %swap3A_152 = tpu.vector_load %arg12[%swap3A_151] {strides = array<i32>} : memref<128xi32, #tpu.memory_space<vmem>>, vector<16xi32>,
      tpu.vector_store %arg12[%swap3A_151], %add3A_150 {strides = array<i32>} : memref<128xi32, #tpu.memory_space<vmem>>, vector<16xi32>,
      %mul3A_153 = arith.constant 128 : i32
      %mul3A_154 = arith.muli %while3A_108, %mul3A_153 : i32
      %add3A_155 = arith.constant 64 : i32
      %add3A_156 = arith.addi %mul3A_154, %add3A_155 : i32
      %get3A_157 = arith.index_cast %add3A_156 : i32 to index
      %get3A_158 = tpu.vector_load %arg11[%get3A_157] {strides = array<i32>} : memref<10256xi32, #tpu.memory_space<vmem>>, vector<16xi32>,
      %add3A_159 = vector.broadcast %mul3A_92 : i32 to vector<16xi32>
      %add3A_160 = arith.addi %get3A_158, %add3A_159 : vector<16xi32>
      %swap3A_161 = arith.constant 64 : index
      %swap3A_162 = tpu.vector_load %arg12[%swap3A_161] {strides = array<i32>} : memref<128xi32, #tpu.memory_space<vmem>>, vector<16xi32>,
      tpu.vector_store %arg12[%swap3A_161], %add3A_160 {strides = array<i32>} : memref<128xi32, #tpu.memory_space<vmem>>, vector<16xi32>,
      %mul3A_163 = arith.constant 128 : i32
      %mul3A_164 = arith.muli %while3A_108, %mul3A_163 : i32
      %add3A_165 = arith.constant 80 : i32
      %add3A_166 = arith.addi %mul3A_164, %add3A_165 : i32
      %get3A_167 = arith.index_cast %add3A_166 : i32 to index
      %get3A_168 = tpu.vector_load %arg11[%get3A_167] {strides = array<i32>} : memref<10256xi32, #tpu.memory_space<vmem>>, vector<16xi32>,
      %add3A_169 = vector.broadcast %mul3A_92 : i32 to vector<16xi32>
      %add3A_170 = arith.addi %get3A_168, %add3A_169 : vector<16xi32>
      %swap3A_171 = arith.constant 80 : index
      %swap3A_172 = tpu.vector_load %arg12[%swap3A_171] {strides = array<i32>} : memref<128xi32, #tpu.memory_space<vmem>>, vector<16xi32>,
      tpu.vector_store %arg12[%swap3A_171], %add3A_170 {strides = array<i32>} : memref<128xi32, #tpu.memory_space<vmem>>, vector<16xi32>,
      %mul3A_173 = arith.constant 128 : i32
      %mul3A_174 = arith.muli %while3A_108, %mul3A_173 : i32
      %add3A_175 = arith.constant 96 : i32
      %add3A_176 = arith.addi %mul3A_174, %add3A_175 : i32
      %get3A_177 = arith.index_cast %add3A_176 : i32 to index
      %get3A_178 = tpu.vector_load %arg11[%get3A_177] {strides = array<i32>} : memref<10256xi32, #tpu.memory_space<vmem>>, vector<16xi32>,
      %add3A_179 = vector.broadcast %mul3A_92 : i32 to vector<16xi32>
      %add3A_180 = arith.addi %get3A_178, %add3A_179 : vector<16xi32>
      %swap3A_181 = arith.constant 96 : index
      %swap3A_182 = tpu.vector_load %arg12[%swap3A_181] {strides = array<i32>} : memref<128xi32, #tpu.memory_space<vmem>>, vector<16xi32>,
      tpu.vector_store %arg12[%swap3A_181], %add3A_180 {strides = array<i32>} : memref<128xi32, #tpu.memory_space<vmem>>, vector<16xi32>,
      %mul3A_183 = arith.constant 128 : i32
      %mul3A_184 = arith.muli %while3A_108, %mul3A_183 : i32
      %add3A_185 = arith.constant 112 : i32
      %add3A_186 = arith.addi %mul3A_184, %add3A_185 : i32
      %get3A_187 = arith.index_cast %add3A_186 : i32 to index
      %get3A_188 = tpu.vector_load %arg11[%get3A_187] {strides = array<i32>} : memref<10256xi32, #tpu.memory_space<vmem>>, vector<16xi32>,
      %add3A_189 = vector.broadcast %mul3A_92 : i32 to vector<16xi32>
      %add3A_190 = arith.addi %get3A_188, %add3A_189 : vector<16xi32>
      %swap3A_191 = arith.constant 112 : index
      %swap3A_192 = tpu.vector_load %arg12[%swap3A_191] {strides = array<i32>} : memref<128xi32, #tpu.memory_space<vmem>>, vector<16xi32>,
      tpu.vector_store %arg12[%swap3A_191], %add3A_190 {strides = array<i32>} : memref<128xi32, #tpu.memory_space<vmem>>, vector<16xi32>,
      %dma_wait3A = tpu.memref_slice %arg10[%mul3A_110] : memref<10256xi32, #tpu.memory_space<vmem>> -> memref<128xi32, #tpu.memory_space<vmem>>
      %dma_wait3A_193 = arith.constant 0 : i32
      %dma_wait3A_194 = arith.constant 0 : i32
      %dma_wait3A_195 = tpu.memref_slice %arg3[%dma_wait3A_193, %dma_wait3A_194] : memref<10000x128xf32, #tpu.memory_space<hbm>> -> memref<10000x128xf32, #tpu.memory_space<hbm>>
      tpu.wait_indirect_dma semaphore(%arg16 : memref<!tpu.dma_semaphore, #tpu.memory_space<semaphore_mem>>) src(%dma_wait3A_195 : memref<10000x128xf32, #tpu.memory_space<hbm>>) dst(%arg13 : memref<128x128xf32, #tpu.memory_space<vmem>>)
      "tpu.region"() ({
        %run_scoped3A_196 = tpu.sem_alloc : memref<!tpu.dma_semaphore, #tpu.memory_space<semaphore_mem>>
        %dma_start3A_197 = arith.constant 0 : i32
        %dma_start3A_198 = arith.constant 0 : i32
        %dma_start3A_199 = tpu.memref_slice %arg15[%dma_start3A_197, %dma_start3A_198] : memref<2008x128xf32, #tpu.memory_space<vmem_shared>> -> memref<2008x128xf32, #tpu.memory_space<vmem_shared>>
        tpu.enqueue_indirect_dma source(%arg13 : memref<128x128xf32, #tpu.memory_space<vmem>>) target(%dma_start3A_199 : memref<2008x128xf32, #tpu.memory_space<vmem_shared>>) offsets(%arg12 : memref<128xi32, #tpu.memory_space<vmem>>) semaphore(%run_scoped3A_196 : memref<!tpu.dma_semaphore, #tpu.memory_space<semaphore_mem>>) {add = true}
        %dma_wait3A_200 = arith.constant 0 : i32
        %dma_wait3A_201 = arith.constant 0 : i32
        %dma_wait3A_202 = tpu.memref_slice %arg15[%dma_wait3A_200, %dma_wait3A_201] : memref<2008x128xf32, #tpu.memory_space<vmem_shared>> -> memref<2008x128xf32, #tpu.memory_space<vmem_shared>>
        tpu.wait_indirect_dma semaphore(%run_scoped3A_196 : memref<!tpu.dma_semaphore, #tpu.memory_space<semaphore_mem>>) src(%arg13 : memref<128x128xf32, #tpu.memory_space<vmem>>) dst(%dma_wait3A_202 : memref<2008x128xf32, #tpu.memory_space<vmem_shared>>)
        tpu.yield
      }) : () -> ()
    }
    %while3A_101 = arith.constant 1 : i32
    scf.for %while3A_108 = %while3A_99 to %while3A_95 step %while3A_101  : i32 {
      %mul3A_109 = arith.constant 128 : i32
      %mul3A_110 = arith.muli %while3A_108, %mul3A_109 : i32
      %dma_start3A = tpu.memref_slice %arg10[%mul3A_110] : memref<10256xi32, #tpu.memory_space<vmem>> -> memref<128xi32, #tpu.memory_space<vmem>>
      %dma_start3A_111 = arith.constant 0 : i32
      %dma_start3A_112 = arith.constant 0 : i32
      %dma_start3A_113 = tpu.memref_slice %arg3[%dma_start3A_111, %dma_start3A_112] : memref<10000x128xf32, #tpu.memory_space<hbm>> -> memref<10000x128xf32, #tpu.memory_space<hbm>>
      tpu.enqueue_indirect_dma source(%dma_start3A_113 : memref<10000x128xf32, #tpu.memory_space<hbm>>) target(%arg13 : memref<128x128xf32, #tpu.memory_space<vmem>>) offsets(%dma_start3A : memref<128xi32, #tpu.memory_space<vmem>>) semaphore(%arg16 : memref<!tpu.dma_semaphore, #tpu.memory_space<semaphore_mem>>)
      %mul3A_114 = arith.constant 128 : i32
      %mul3A_115 = arith.muli %while3A_108, %mul3A_114 : i32
      %add3A_116 = arith.constant 0 : i32
      %add3A_117 = arith.addi %mul3A_115, %add3A_116 : i32
      %get3A = arith.index_cast %add3A_117 : i32 to index
      %get3A_118 = tpu.vector_load %arg11[%get3A] {strides = array<i32>} : memref<10256xi32, #tpu.memory_space<vmem>>, vector<16xi32>,
      %add3A_119 = vector.broadcast %mul3A_92 : i32 to vector<16xi32>
      %add3A_120 = arith.addi %get3A_118, %add3A_119 : vector<16xi32>
      %swap3A_121 = arith.constant 0 : index
      %swap3A_122 = tpu.vector_load %arg12[%swap3A_121] {strides = array<i32>} : memref<128xi32, #tpu.memory_space<vmem>>, vector<16xi32>,
      tpu.vector_store %arg12[%swap3A_121], %add3A_120 {strides = array<i32>} : memref<128xi32, #tpu.memory_space<vmem>>, vector<16xi32>,
      %mul3A_123 = arith.constant 128 : i32
      %mul3A_124 = arith.muli %while3A_108, %mul3A_123 : i32
      %add3A_125 = arith.constant 16 : i32
      %add3A_126 = arith.addi %mul3A_124, %add3A_125 : i32
      %get3A_127 = arith.index_cast %add3A_126 : i32 to index
      %get3A_128 = tpu.vector_load %arg11[%get3A_127] {strides = array<i32>} : memref<10256xi32, #tpu.memory_space<vmem>>, vector<16xi32>,
      %add3A_129 = vector.broadcast %mul3A_92 : i32 to vector<16xi32>
      %add3A_130 = arith.addi %get3A_128, %add3A_129 : vector<16xi32>
      %swap3A_131 = arith.constant 16 : index
      %swap3A_132 = tpu.vector_load %arg12[%swap3A_131] {strides = array<i32>} : memref<128xi32, #tpu.memory_space<vmem>>, vector<16xi32>,
      tpu.vector_store %arg12[%swap3A_131], %add3A_130 {strides = array<i32>} : memref<128xi32, #tpu.memory_space<vmem>>, vector<16xi32>,
      %mul3A_133 = arith.constant 128 : i32
      %mul3A_134 = arith.muli %while3A_108, %mul3A_133 : i32
      %add3A_135 = arith.constant 32 : i32
      %add3A_136 = arith.addi %mul3A_134, %add3A_135 : i32
      %get3A_137 = arith.index_cast %add3A_136 : i32 to index
      %get3A_138 = tpu.vector_load %arg11[%get3A_137] {strides = array<i32>} : memref<10256xi32, #tpu.memory_space<vmem>>, vector<16xi32>,
      %add3A_139 = vector.broadcast %mul3A_92 : i32 to vector<16xi32>
      %add3A_140 = arith.addi %get3A_138, %add3A_139 : vector<16xi32>
      %swap3A_141 = arith.constant 32 : index
      %swap3A_142 = tpu.vector_load %arg12[%swap3A_141] {strides = array<i32>} : memref<128xi32, #tpu.memory_space<vmem>>, vector<16xi32>,
      tpu.vector_store %arg12[%swap3A_141], %add3A_140 {strides = array<i32>} : memref<128xi32, #tpu.memory_space<vmem>>, vector<16xi32>,
      %mul3A_143 = arith.constant 128 : i32
      %mul3A_144 = arith.muli %while3A_108, %mul3A_143 : i32
      %add3A_145 = arith.constant 48 : i32
      %add3A_146 = arith.addi %mul3A_144, %add3A_145 : i32
      %get3A_147 = arith.index_cast %add3A_146 : i32 to index
      %get3A_148 = tpu.vector_load %arg11[%get3A_147] {strides = array<i32>} : memref<10256xi32, #tpu.memory_space<vmem>>, vector<16xi32>,
      %add3A_149 = vector.broadcast %mul3A_92 : i32 to vector<16xi32>
      %add3A_150 = arith.addi %get3A_148, %add3A_149 : vector<16xi32>
      %swap3A_151 = arith.constant 48 : index
      %swap3A_152 = tpu.vector_load %arg12[%swap3A_151] {strides = array<i32>} : memref<128xi32, #tpu.memory_space<vmem>>, vector<16xi32>,
      tpu.vector_store %arg12[%swap3A_151], %add3A_150 {strides = array<i32>} : memref<128xi32, #tpu.memory_space<vmem>>, vector<16xi32>,
      %mul3A_153 = arith.constant 128 : i32
      %mul3A_154 = arith.muli %while3A_108, %mul3A_153 : i32
      %add3A_155 = arith.constant 64 : i32
      %add3A_156 = arith.addi %mul3A_154, %add3A_155 : i32
      %get3A_157 = arith.index_cast %add3A_156 : i32 to index
      %get3A_158 = tpu.vector_load %arg11[%get3A_157] {strides = array<i32>} : memref<10256xi32, #tpu.memory_space<vmem>>, vector<16xi32>,
      %add3A_159 = vector.broadcast %mul3A_92 : i32 to vector<16xi32>
      %add3A_160 = arith.addi %get3A_158, %add3A_159 : vector<16xi32>
      %swap3A_161 = arith.constant 64 : index
      %swap3A_162 = tpu.vector_load %arg12[%swap3A_161] {strides = array<i32>} : memref<128xi32, #tpu.memory_space<vmem>>, vector<16xi32>,
      tpu.vector_store %arg12[%swap3A_161], %add3A_160 {strides = array<i32>} : memref<128xi32, #tpu.memory_space<vmem>>, vector<16xi32>,
      %mul3A_163 = arith.constant 128 : i32
      %mul3A_164 = arith.muli %while3A_108, %mul3A_163 : i32
      %add3A_165 = arith.constant 80 : i32
      %add3A_166 = arith.addi %mul3A_164, %add3A_165 : i32
      %get3A_167 = arith.index_cast %add3A_166 : i32 to index
      %get3A_168 = tpu.vector_load %arg11[%get3A_167] {strides = array<i32>} : memref<10256xi32, #tpu.memory_space<vmem>>, vector<16xi32>,
      %add3A_169 = vector.broadcast %mul3A_92 : i32 to vector<16xi32>
      %add3A_170 = arith.addi %get3A_168, %add3A_169 : vector<16xi32>
      %swap3A_171 = arith.constant 80 : index
      %swap3A_172 = tpu.vector_load %arg12[%swap3A_171] {strides = array<i32>} : memref<128xi32, #tpu.memory_space<vmem>>, vector<16xi32>,
      tpu.vector_store %arg12[%swap3A_171], %add3A_170 {strides = array<i32>} : memref<128xi32, #tpu.memory_space<vmem>>, vector<16xi32>,
      %mul3A_173 = arith.constant 128 : i32
      %mul3A_174 = arith.muli %while3A_108, %mul3A_173 : i32
      %add3A_175 = arith.constant 96 : i32
      %add3A_176 = arith.addi %mul3A_174, %add3A_175 : i32
      %get3A_177 = arith.index_cast %add3A_176 : i32 to index
      %get3A_178 = tpu.vector_load %arg11[%get3A_177] {strides = array<i32>} : memref<10256xi32, #tpu.memory_space<vmem>>, vector<16xi32>,
      %add3A_179 = vector.broadcast %mul3A_92 : i32 to vector<16xi32>
      %add3A_180 = arith.addi %get3A_178, %add3A_179 : vector<16xi32>
      %swap3A_181 = arith.constant 96 : index
      %swap3A_182 = tpu.vector_load %arg12[%swap3A_181] {strides = array<i32>} : memref<128xi32, #tpu.memory_space<vmem>>, vector<16xi32>,
      tpu.vector_store %arg12[%swap3A_181], %add3A_180 {strides = array<i32>} : memref<128xi32, #tpu.memory_space<vmem>>, vector<16xi32>,
      %mul3A_183 = arith.constant 128 : i32
      %mul3A_184 = arith.muli %while3A_108, %mul3A_183 : i32
      %add3A_185 = arith.constant 112 : i32
      %add3A_186 = arith.addi %mul3A_184, %add3A_185 : i32
      %get3A_187 = arith.index_cast %add3A_186 : i32 to index
      %get3A_188 = tpu.vector_load %arg11[%get3A_187] {strides = array<i32>} : memref<10256xi32, #tpu.memory_space<vmem>>, vector<16xi32>,
      %add3A_189 = vector.broadcast %mul3A_92 : i32 to vector<16xi32>
      %add3A_190 = arith.addi %get3A_188, %add3A_189 : vector<16xi32>
      %swap3A_191 = arith.constant 112 : index
      %swap3A_192 = tpu.vector_load %arg12[%swap3A_191] {strides = array<i32>} : memref<128xi32, #tpu.memory_space<vmem>>, vector<16xi32>,
      tpu.vector_store %arg12[%swap3A_191], %add3A_190 {strides = array<i32>} : memref<128xi32, #tpu.memory_space<vmem>>, vector<16xi32>,
      %dma_wait3A = tpu.memref_slice %arg10[%mul3A_110] : memref<10256xi32, #tpu.memory_space<vmem>> -> memref<128xi32, #tpu.memory_space<vmem>>
      %dma_wait3A_193 = arith.constant 0 : i32
      %dma_wait3A_194 = arith.constant 0 : i32
      %dma_wait3A_195 = tpu.memref_slice %arg3[%dma_wait3A_193, %dma_wait3A_194] : memref<10000x128xf32, #tpu.memory_space<hbm>> -> memref<10000x128xf32, #tpu.memory_space<hbm>>
      tpu.wait_indirect_dma semaphore(%arg16 : memref<!tpu.dma_semaphore, #tpu.memory_space<semaphore_mem>>) src(%dma_wait3A_195 : memref<10000x128xf32, #tpu.memory_space<hbm>>) dst(%arg13 : memref<128x128xf32, #tpu.memory_space<vmem>>)
      "tpu.region"() ({
        %run_scoped3A_196 = tpu.sem_alloc : memref<!tpu.dma_semaphore, #tpu.memory_space<semaphore_mem>>
        %dma_start3A_197 = arith.constant 0 : i32
        %dma_start3A_198 = arith.constant 0 : i32
        %dma_start3A_199 = tpu.memref_slice %arg15[%dma_start3A_197, %dma_start3A_198] : memref<2008x128xf32, #tpu.memory_space<vmem_shared>> -> memref<2008x128xf32, #tpu.memory_space<vmem_shared>>
        tpu.enqueue_indirect_dma source(%arg13 : memref<128x128xf32, #tpu.memory_space<vmem>>) target(%dma_start3A_199 : memref<2008x128xf32, #tpu.memory_space<vmem_shared>>) offsets(%arg12 : memref<128xi32, #tpu.memory_space<vmem>>) semaphore(%run_scoped3A_196 : memref<!tpu.dma_semaphore, #tpu.memory_space<semaphore_mem>>) {add = true}
        %dma_wait3A_200 = arith.constant 0 : i32
        %dma_wait3A_201 = arith.constant 0 : i32
        %dma_wait3A_202 = tpu.memref_slice %arg15[%dma_wait3A_200, %dma_wait3A_201] : memref<2008x128xf32, #tpu.memory_space<vmem_shared>> -> memref<2008x128xf32, #tpu.memory_space<vmem_shared>>
        tpu.wait_indirect_dma semaphore(%run_scoped3A_196 : memref<!tpu.dma_semaphore, #tpu.memory_space<semaphore_mem>>) src(%arg13 : memref<128x128xf32, #tpu.memory_space<vmem>>) dst(%dma_wait3A_202 : memref<2008x128xf32, #tpu.memory_space<vmem_shared>>)
        tpu.yield
      }) : () -> ()
    }
    "tpu.trace_stop"() : () -> ()
    "tpu.region"() ({
      %run_scoped3A_108 = tpu.sem_alloc : memref<!tpu.dma_semaphore, #tpu.memory_space<semaphore_mem>>
      %dma_start3A = arith.constant 0 : i32
      %dma_start3A_109 = tpu.memref_slice %arg7[%add3A, %dma_start3A] : memref<32x2048xf32, #tpu.memory_space<hbm>> -> memref<1x2048xf32, #tpu.memory_space<hbm>>
      %dma_start3A_110 = tpu.memref_squeeze %dma_start3A_109 : memref<1x2048xf32, #tpu.memory_space<hbm>> -> memref<2048xf32, #tpu.memory_space<hbm>>
      %dma_start3A_111 = arith.constant 0 : i32
      %dma_start3A_112 = tpu.memref_slice %arg7[%add3A, %dma_start3A_111] : memref<32x2048xf32, #tpu.memory_space<hbm>> -> memref<1x2048xf32, #tpu.memory_space<hbm>>
      %dma_start3A_113 = tpu.memref_squeeze %dma_start3A_112 : memref<1x2048xf32, #tpu.memory_space<hbm>> -> memref<2048xf32, #tpu.memory_space<hbm>>
      tpu.enqueue_dma source(%arg14 : memref<2048xf32, #tpu.memory_space<vmem>>) target(%dma_start3A_113 : memref<2048xf32, #tpu.memory_space<hbm>>) target_semaphore(%run_scoped3A_108 : memref<!tpu.dma_semaphore, #tpu.memory_space<semaphore_mem>>)
      %dma_wait3A = arith.constant 0 : i32
      %dma_wait3A_114 = tpu.memref_slice %arg7[%add3A, %dma_wait3A] : memref<32x2048xf32, #tpu.memory_space<hbm>> -> memref<1x2048xf32, #tpu.memory_space<hbm>>
      %dma_wait3A_115 = tpu.memref_squeeze %dma_wait3A_114 : memref<1x2048xf32, #tpu.memory_space<hbm>> -> memref<2048xf32, #tpu.memory_space<hbm>>
      %dma_wait3A_116 = arith.constant 0 : i32
      %dma_wait3A_117 = tpu.memref_slice %arg7[%add3A, %dma_wait3A_116] : memref<32x2048xf32, #tpu.memory_space<hbm>> -> memref<1x2048xf32, #tpu.memory_space<hbm>>
      %dma_wait3A_118 = tpu.memref_squeeze %dma_wait3A_117 : memref<1x2048xf32, #tpu.memory_space<hbm>> -> memref<2048xf32, #tpu.memory_space<hbm>>
      tpu.wait_dma2 semaphore(%run_scoped3A_108 : memref<!tpu.dma_semaphore, #tpu.memory_space<semaphore_mem>>) src(%arg14 : memref<2048xf32, #tpu.memory_space<vmem>>) dst(%dma_wait3A_118 : memref<2048xf32, #tpu.memory_space<hbm>>)
      tpu.yield
    }) : () -> ()
    %barrier3A_102 = arith.constant 0 : index
    tpu.barrier barrier_id(%barrier3A_102)
    %eq3A_103 = arith.constant 0 : i32
    %eq3A_104 = arith.cmpi eq, %arg1, %eq3A_103 : i32
    %convert_element_type3A_105 = arith.extui %eq3A_104 : i1 to i32
    %cond3A_106 = arith.constant 0 : i32
    %cond3A_107 = arith.cmpi ne, %convert_element_type3A_105, %cond3A_106 : i32
    scf.if %cond3A_107 {
      %run_scoped3A_108 = arith.constant 0 : i32
      "tpu.region"() ({
        %run_scoped3A_109 = tpu.sem_alloc : memref<!tpu.dma_semaphore, #tpu.memory_space<semaphore_mem>>
        %dma_start3A = arith.constant 0 : i32
        %dma_start3A_110 = arith.constant 0 : i32
        %dma_start3A_111 = tpu.memref_slice %arg6[%arg0, %run_scoped3A_108, %dma_start3A, %dma_start3A_110] : memref<2x1x2000x128xf32, #tpu.memory_space<hbm>> -> memref<1x1x2000x128xf32, #tpu.memory_space<hbm>>
        %dma_start3A_112 = tpu.memref_squeeze %dma_start3A_111 : memref<1x1x2000x128xf32, #tpu.memory_space<hbm>> -> memref<2000x128xf32, #tpu.memory_space<hbm>>
        %dma_start3A_113 = arith.constant 0 : i32
        %dma_start3A_114 = arith.constant 0 : i32
        %dma_start3A_115 = tpu.memref_slice %arg15[%dma_start3A_113, %dma_start3A_114] : memref<2008x128xf32, #tpu.memory_space<vmem_shared>> -> memref<2000x128xf32, #tpu.memory_space<vmem_shared>>
        tpu.enqueue_dma source(%dma_start3A_115 : memref<2000x128xf32, #tpu.memory_space<vmem_shared>>) target(%dma_start3A_112 : memref<2000x128xf32, #tpu.memory_space<hbm>>) target_semaphore(%run_scoped3A_109 : memref<!tpu.dma_semaphore, #tpu.memory_space<semaphore_mem>>)
        %dma_wait3A = arith.constant 0 : i32
        %dma_wait3A_116 = arith.constant 0 : i32
        %dma_wait3A_117 = tpu.memref_slice %arg6[%arg0, %run_scoped3A_108, %dma_wait3A, %dma_wait3A_116] : memref<2x1x2000x128xf32, #tpu.memory_space<hbm>> -> memref<1x1x2000x128xf32, #tpu.memory_space<hbm>>
        %dma_wait3A_118 = tpu.memref_squeeze %dma_wait3A_117 : memref<1x1x2000x128xf32, #tpu.memory_space<hbm>> -> memref<2000x128xf32, #tpu.memory_space<hbm>>
        %dma_wait3A_119 = arith.constant 0 : i32
        %dma_wait3A_120 = arith.constant 0 : i32
        %dma_wait3A_121 = tpu.memref_slice %arg15[%dma_wait3A_119, %dma_wait3A_120] : memref<2008x128xf32, #tpu.memory_space<vmem_shared>> -> memref<2000x128xf32, #tpu.memory_space<vmem_shared>>
        tpu.wait_dma2 semaphore(%run_scoped3A_109 : memref<!tpu.dma_semaphore, #tpu.memory_space<semaphore_mem>>) src(%dma_wait3A_121 : memref<2000x128xf32, #tpu.memory_space<vmem_shared>>) dst(%dma_wait3A_118 : memref<2000x128xf32, #tpu.memory_space<hbm>>)
        tpu.yield
      }) : () -> ()
    } else {
    }
    return
  }
}

module attributes {stable_mosaic.version = 14 : i64} {
  func.func @_mlp_table_body(%arg0: memref<2000x128xf32, #tpu.memory_space<vmem>>, %arg1: memref<128x128xf32, #tpu.memory_space<vmem>>, %arg2: memref<128xf32, #tpu.memory_space<vmem>>, %arg3: memref<128x128xf32, #tpu.memory_space<vmem>>, %arg4: memref<128xf32, #tpu.memory_space<vmem>>, %arg5: memref<8000x128xf32, #tpu.memory_space<vmem>>, %arg6: memref<10000x128xf32, #tpu.memory_space<vmem>>) attributes {dimension_semantics = [], scalar_prefetch = 0 : i64, scratch_operands = 0 : i64, tpu.core_type = #tpu.core_type<tc>} {
    %get3A = arith.constant 0 : index
    %get3A_0 = arith.constant 0 : index
    %get3A_1 = vector.load %arg0[%get3A, %get3A_0] : memref<2000x128xf32, #tpu.memory_space<vmem>>, vector<2000x128xf32>
    %get3A_2 = arith.constant 0 : index
    %get3A_3 = arith.constant 0 : index
    %get3A_4 = vector.load %arg1[%get3A_2, %get3A_3] : memref<128x128xf32, #tpu.memory_space<vmem>>, vector<128x128xf32>
    %dot_general3A = arith.constant dense<0.000000e+00> : vector<2000x128xf32>
    %dot_general3A_5 = tpu.matmul %get3A_1, %get3A_4, %dot_general3A {dimension_numbers = #tpu.dot_dimension_numbers<[1], [0], [0], [1], [0, 0, 1, 1], [], []>, transpose_lhs_hint = false} : vector<2000x128xf32>, vector<128x128xf32>, vector<2000x128xf32> -> vector<2000x128xf32>
    %get3A_6 = arith.constant 0 : index
    %get3A_7 = vector.load %arg2[%get3A_6] : memref<128xf32, #tpu.memory_space<vmem>>, vector<128xf32>
    %broadcast_in_dim3A = vector.shape_cast %get3A_7 : vector<128xf32> to vector<1x128xf32>
    %add3A = vector.broadcast %broadcast_in_dim3A : vector<1x128xf32> to vector<2000x128xf32>
    %add3A_8 = arith.addf %dot_general3A_5, %add3A : vector<2000x128xf32>
    %max3A = arith.constant 0.000000e+00 : f32
    %max3A_9 = vector.broadcast %max3A : f32 to vector<2000x128xf32>
    %max3A_10 = arith.maximumf %add3A_8, %max3A_9 : vector<2000x128xf32>
    %get3A_11 = arith.constant 0 : index
    %get3A_12 = arith.constant 0 : index
    %get3A_13 = vector.load %arg3[%get3A_11, %get3A_12] : memref<128x128xf32, #tpu.memory_space<vmem>>, vector<128x128xf32>
    %dot_general3A_14 = arith.constant dense<0.000000e+00> : vector<2000x128xf32>
    %dot_general3A_15 = tpu.matmul %max3A_10, %get3A_13, %dot_general3A_14 {dimension_numbers = #tpu.dot_dimension_numbers<[1], [0], [0], [1], [0, 0, 1, 1], [], []>, transpose_lhs_hint = false} : vector<2000x128xf32>, vector<128x128xf32>, vector<2000x128xf32> -> vector<2000x128xf32>
    %get3A_16 = arith.constant 0 : index
    %get3A_17 = vector.load %arg4[%get3A_16] : memref<128xf32, #tpu.memory_space<vmem>>, vector<128xf32>
    %broadcast_in_dim3A_18 = vector.shape_cast %get3A_17 : vector<128xf32> to vector<1x128xf32>
    %add3A_19 = vector.broadcast %broadcast_in_dim3A_18 : vector<1x128xf32> to vector<2000x128xf32>
    %add3A_20 = arith.addf %dot_general3A_15, %add3A_19 : vector<2000x128xf32>
    %max3A_21 = arith.constant 0.000000e+00 : f32
    %max3A_22 = vector.broadcast %max3A_21 : f32 to vector<2000x128xf32>
    %max3A_23 = arith.maximumf %add3A_20, %max3A_22 : vector<2000x128xf32>
    %swap3A = arith.constant 0 : index
    %swap3A_24 = arith.constant 0 : index
    %swap3A_25 = vector.load %arg6[%swap3A, %swap3A_24] : memref<10000x128xf32, #tpu.memory_space<vmem>>, vector<2000x128xf32>
    tpu.vector_store %arg6[%swap3A, %swap3A_24], %max3A_23 {strides = array<i32>} : memref<10000x128xf32, #tpu.memory_space<vmem>>, vector<2000x128xf32>,
    %get3A_26 = arith.constant 0 : index
    %get3A_27 = arith.constant 0 : index
    %get3A_28 = vector.load %arg5[%get3A_26, %get3A_27] : memref<8000x128xf32, #tpu.memory_space<vmem>>, vector<8000x128xf32>
    %swap3A_29 = arith.constant 2000 : index
    %swap3A_30 = arith.constant 0 : index
    %swap3A_31 = vector.load %arg6[%swap3A_29, %swap3A_30] : memref<10000x128xf32, #tpu.memory_space<vmem>>, vector<8000x128xf32>
    tpu.vector_store %arg6[%swap3A_29, %swap3A_30], %get3A_28 {strides = array<i32>} : memref<10000x128xf32, #tpu.memory_space<vmem>>, vector<8000x128xf32>,
    return
  }
}

module attributes {stable_mosaic.version = 14 : i64} {
  func.func @_final_body(%arg0: i32, %arg1: memref<2x1x2000x128xf32, #tpu.memory_space<vmem>>, %arg2: memref<32x2048xf32, #tpu.memory_space<vmem>>, %arg3: memref<2000x128xf32, #tpu.memory_space<vmem>>, %arg4: memref<128x128xf32, #tpu.memory_space<vmem>>, %arg5: memref<128xf32, #tpu.memory_space<vmem>>, %arg6: memref<128x128xf32, #tpu.memory_space<vmem>>, %arg7: memref<2000x128xf32, #tpu.memory_space<vmem>>) attributes {dimension_semantics = [#tpu.dimension_semantics<arbitrary>], iteration_bounds = array<i64: 1>, scalar_prefetch = 0 : i64, scratch_operands = 0 : i64, tpu.core_type = #tpu.core_type<tc>, window_params = [{pipeline_mode = #tpu.pipeline_mode<synchronous>, transform_indices = @transform_0, window_bounds = array<i64: 2, 1, 2000, 128>}, {pipeline_mode = #tpu.pipeline_mode<synchronous>, transform_indices = @transform_1, window_bounds = array<i64: 32, 2048>}, {transform_indices = @transform_2, window_bounds = array<i64: 2000, 128>}, {pipeline_mode = #tpu.pipeline_mode<synchronous>, transform_indices = @transform_3, window_bounds = array<i64: 128, 128>}, {pipeline_mode = #tpu.pipeline_mode<synchronous>, transform_indices = @transform_4, window_bounds = array<i64: 128>}, {pipeline_mode = #tpu.pipeline_mode<synchronous>, transform_indices = @transform_5, window_bounds = array<i64: 128, 128>}, {pipeline_mode = #tpu.pipeline_mode<synchronous>, transform_indices = @transform_6, window_bounds = array<i64: 2000, 128>}]} {
    %get3A = arith.constant 0 : index
    %get3A_0 = arith.constant 0 : index
    %get3A_1 = arith.constant 0 : index
    %get3A_2 = arith.constant 0 : index
    %get3A_3 = vector.load %arg1[%get3A, %get3A_0, %get3A_1, %get3A_2] : memref<2x1x2000x128xf32, #tpu.memory_space<vmem>>, vector<2x1x2000x128xf32>
    %reduce_sum3A = arith.constant dense<0.000000e+00> : vector<2000x128xf32>
    %reduce_sum3A_4 = vector.multi_reduction <add>, %get3A_3, %reduce_sum3A [0, 1] : vector<2x1x2000x128xf32> to vector<2000x128xf32>
    %get3A_5 = arith.constant 0 : index
    %get3A_6 = arith.constant 0 : index
    %get3A_7 = vector.load %arg2[%get3A_5, %get3A_6] : memref<32x2048xf32, #tpu.memory_space<vmem>>, vector<32x2048xf32>
    %reduce_sum3A_8 = arith.constant dense<0.000000e+00> : vector<2048xf32>
    %reduce_sum3A_9 = vector.multi_reduction <add>, %get3A_7, %reduce_sum3A_8 [0] : vector<32x2048xf32> to vector<2048xf32>
    %slice3A = vector.extract_strided_slice %reduce_sum3A_9 {offsets = [0], sizes = [2000], strides = [1]} : vector<2048xf32> to vector<2000xf32>
    %max3A = arith.constant 1.000000e+00 : f32
    %max3A_10 = vector.broadcast %max3A : f32 to vector<2000xf32>
    %max3A_11 = arith.maximumf %slice3A, %max3A_10 : vector<2000xf32>
    %broadcast_in_dim3A = vector.shape_cast %max3A_11 : vector<2000xf32> to vector<2000x1xf32>
    %div3A = vector.broadcast %broadcast_in_dim3A : vector<2000x1xf32> to vector<2000x128xf32>
    %div3A_12 = arith.divf %reduce_sum3A_4, %div3A : vector<2000x128xf32>
    %get3A_13 = arith.constant 0 : index
    %get3A_14 = arith.constant 0 : index
    %get3A_15 = vector.load %arg4[%get3A_13, %get3A_14] : memref<128x128xf32, #tpu.memory_space<vmem>>, vector<128x128xf32>
    %dot_general3A = arith.constant dense<0.000000e+00> : vector<2000x128xf32>
    %dot_general3A_16 = tpu.matmul %div3A_12, %get3A_15, %dot_general3A {dimension_numbers = #tpu.dot_dimension_numbers<[1], [0], [0], [1], [0, 0, 1, 1], [], []>, transpose_lhs_hint = false} : vector<2000x128xf32>, vector<128x128xf32>, vector<2000x128xf32> -> vector<2000x128xf32>
    %get3A_17 = arith.constant 0 : index
    %get3A_18 = vector.load %arg5[%get3A_17] : memref<128xf32, #tpu.memory_space<vmem>>, vector<128xf32>
    %broadcast_in_dim3A_19 = vector.shape_cast %get3A_18 : vector<128xf32> to vector<1x128xf32>
    %add3A = vector.broadcast %broadcast_in_dim3A_19 : vector<1x128xf32> to vector<2000x128xf32>
    %add3A_20 = arith.addf %dot_general3A_16, %add3A : vector<2000x128xf32>
    %get3A_21 = arith.constant 0 : index
    %get3A_22 = arith.constant 0 : index
    %get3A_23 = vector.load %arg3[%get3A_21, %get3A_22] : memref<2000x128xf32, #tpu.memory_space<vmem>>, vector<2000x128xf32>
    %get3A_24 = arith.constant 0 : index
    %get3A_25 = arith.constant 0 : index
    %get3A_26 = vector.load %arg6[%get3A_24, %get3A_25] : memref<128x128xf32, #tpu.memory_space<vmem>>, vector<128x128xf32>
    %dot_general3A_27 = arith.constant dense<0.000000e+00> : vector<2000x128xf32>
    %dot_general3A_28 = tpu.matmul %get3A_23, %get3A_26, %dot_general3A_27 {dimension_numbers = #tpu.dot_dimension_numbers<[1], [0], [0], [1], [0, 0, 1, 1], [], []>, transpose_lhs_hint = false} : vector<2000x128xf32>, vector<128x128xf32>, vector<2000x128xf32> -> vector<2000x128xf32>
    %add3A_29 = arith.addf %add3A_20, %dot_general3A_28 : vector<2000x128xf32>
    %max3A_30 = arith.constant 0.000000e+00 : f32
    %max3A_31 = vector.broadcast %max3A_30 : f32 to vector<2000x128xf32>
    %max3A_32 = arith.maximumf %add3A_29, %max3A_31 : vector<2000x128xf32>
    %swap3A = arith.constant 0 : index
    %swap3A_33 = arith.constant 0 : index
    %swap3A_34 = vector.load %arg7[%swap3A, %swap3A_33] : memref<2000x128xf32, #tpu.memory_space<vmem>>, vector<2000x128xf32>
    tpu.vector_store %arg7[%swap3A, %swap3A_33], %max3A_32 {strides = array<i32>} : memref<2000x128xf32, #tpu.memory_space<vmem>>, vector<2000x128xf32>,
    return
  }
  func.func @transform_0(%arg0: i32) -> (i32, i32, i32, i32) {
    %c0_i32 = arith.constant 0 : i32
    %c0_i32_0 = arith.constant 0 : i32
    %c0_i32_1 = arith.constant 0 : i32
    %c0_i32_2 = arith.constant 0 : i32
    %c0_i32_3 = arith.constant 0 : i32
    return %c0_i32, %c0_i32_0, %c0_i32_1, %c0_i32_2 : i32, i32, i32, i32
  }
  func.func @transform_1(%arg0: i32) -> (i32, i32) {
    %c0_i32 = arith.constant 0 : i32
    %c0_i32_0 = arith.constant 0 : i32
    %c0_i32_1 = arith.constant 0 : i32
    return %c0_i32, %c0_i32_0 : i32, i32
  }
  func.func @transform_2(%arg0: i32) -> (i32, i32) {
    %c0_i32 = arith.constant 0 : i32
    %c0_i32_0 = arith.constant 0 : i32
    %c0_i32_1 = arith.constant 0 : i32
    return %c0_i32, %c0_i32_0 : i32, i32
  }
  func.func @transform_3(%arg0: i32) -> (i32, i32) {
    %c0_i32 = arith.constant 0 : i32
    %c0_i32_0 = arith.constant 0 : i32
    %c0_i32_1 = arith.constant 0 : i32
    return %c0_i32, %c0_i32_0 : i32, i32
  }
  func.func @transform_4(%arg0: i32) -> i32 {
    %c0_i32 = arith.constant 0 : i32
    %c0_i32_0 = arith.constant 0 : i32
    return %c0_i32 : i32
  }
  func.func @transform_5(%arg0: i32) -> (i32, i32) {
    %c0_i32 = arith.constant 0 : i32
    %c0_i32_0 = arith.constant 0 : i32
    %c0_i32_1 = arith.constant 0 : i32
    return %c0_i32, %c0_i32_0 : i32, i32
  }
  func.func @transform_6(%arg0: i32) -> (i32, i32) {
    %c0_i32 = arith.constant 0 : i32
    %c0_i32_0 = arith.constant 0 : i32
    %c0_i32_1 = arith.constant 0 : i32
    return %c0_i32, %c0_i32_0 : i32, i32
  }
}

</mosaic_0001>

<sc_bundles>
// kernel: kernel.5.cloned.1.call-start
scs
__scs_entry_jumppad:
0x0: {  	(pc) =	sbr.rel $0x88, $3  }
0x1: {  	(tag) =	ssettag $0x0;
	lr =	simm.s32 $0x1  }
0x2: {  	[smem:$0x3F97] =	sst lr;
	_ =	strace $0xD0000000  }
0x3: {  	_ = 	snop  }
0x4: {  	_ = 	snop  }
0x5: {  	_ = 	snop  }
0x6: {  	_ = 	snop  }
0x7: {  	_ = 	snop  }
__scs_overlays_trampoline_lowered:
0x8: {  	[smem:$0x3FA6] =	sst s0  }
0x9: {  	[smem:$0x3FA7] =	sst s1  }
0xa: {  	[smem:$0x3FA8] =	sst s2  }
0xb: {  	[smem:$0x3FA9] =	sst s3  }
0xc: {  	[smem:$0x3FAA] =	sst s4  }
0xd: {  	[smem:$0x3FAB] =	sst s5  }
0xe: {  	[smem:$0x3FAC] =	sst s6  }
0xf: {  	[smem:$0x3FAD] =	sst s7  }
0x10: {  	[smem:$0x3FAE] =	sst s8  }
0x11: {  	[smem:$0x3FAF] =	sst s9;
	s0 =	simm.s32 @!p0 $0x0  }
0x12: {  	s1 =	sld [smem:$0x3F95];
	s0 =	simm.s32 @p0 $0x1  }
0x13: {  	[smem:$0x3FB0] =	sst s0;
	s0 =	simm.s32 @!p1 $0x0  }
0x14: {  	s2 =	sld [smem:$0x3F94];
	s0 =	simm.s32 @p1 $0x1  }
0x15: {  	[smem:$0x3FB1] =	sst s0;
	s0 =	simm.s32 @!p2 $0x0  }
0x16: {  	s3 =	sld [smem:$0x3FDB];
	s0 =	simm.s32 @p2 $0x1  }
0x17: {  	s4 =	simm.s32 $0x1BF5;
	[smem:$0x3FB3] =	sst s0  }
0x18: {  	s0 =	sld [smem:$0x3F96];
	_ =	swait.ge [sflag:s4], $0x0  }
0x19: {  	s7 =	sld [smem:$0x3F97]  }
0x1a: {  	s8 =	sadd.s32 $0xFFFFE003, lr  }
0x1b: {  	s9 =	sadd.s32 $0xFFFFFEF7, lr;
	s5 =	simm.s32 $0xFFFFFFFF;
	p2 =	slt.u32 s8, $0xFFFFF086  }
0x1c: {  	p1 =	slt.u32 s9, $0xF7A;
	s5 =	simm.s32 @!p2 $0x0  }
0x1d: {  	s5 =	simm.s32 @p1 $0x1;
	p0 =	seq.s32 s7, s2  }
0x1e: {  	s7 =	smul.u32 @!p0 $0xF7A, s2;
	p2 =	seq.s32 @!p0 s5, $0x0  }
0x1f: {  	s9 =	smul.u32 $0xF7A, s1;
	s8 =	simm.s32 @!p0 $0x1BF5;
	p2 =	por !p2, p0  }
0x20: {  	[sflag:s8] =	ssyncset.s32 @!p0 $0xFFFFF086;
	s6 =	sadd.s32 @!p0 s3, s7;
	s7 =	simm.s32 @!p0 $0x108  }
0x21: {  	s3 =	sadd.s32 s3, s9;
	s6 =	sadd.s32 @!p0 $0x88, s6;
	s7 =	simm.s32 @p2 $0x1082  }
0x22: {  	[simem:s7], [sflag:s8] =	dma.local @!p0 [hbm:s6], $0xF7A  }
0x23: {  	s9 =	sor.u32 $0xD0000000, s2;
	s6 =	simm.s32 $0x108;
	_ =	swait.ge @!p0 [sflag:s8], $0x0  }
0x24: {  	s3 =	sadd.s32 $0x88, s3;
	s6 =	simm.s32 @!p1 $0x1082;
	[sflag:s4] =	ssyncset.s32 $0xFFFFF086  }
0x25: {  	[simem:s6], [sflag:s4] =	dma.local [hbm:s3], $0xF7A  }
0x26: {  	[smem:$0x3F97] =	sst s1;
	(tag) =	ssettag s2;
	_ =	strace s9  }
0x27: {  	s1 =	sld [smem:$0x3FA7]  }
0x28: {  	s2 =	sld [smem:$0x3FA8]  }
0x29: {  	s4 =	sld [smem:$0x3FAA]  }
0x2a: {  	p0 =	seq.s32 s5, $0x0;
	s5 =	sld [smem:$0x3FAB]  }
0x2b: {  	s6 =	sld [smem:$0x3FAC]  }
0x2c: {  	s7 =	sld [smem:$0x3FAD]  }
0x2d: {  	s3 =	simm.s32 $0x108;
	s8 =	sld [smem:$0x3FAE]  }
0x2e: {  	s3 =	simm.s32 @!p0 $0x1082;
	s9 =	sld [smem:$0x3FAF]  }
0x2f: {  	lr =	sadd.s32 s0, s3;
	s0 =	sld [smem:$0x3FA6]  }
0x30: {  	s3 =	sld [smem:$0x3FA9]  }
0x31: {  	[smem:$0x3FB2] =	sst s10  }
0x32: {  	s10 =	sld [smem:$0x3FB0];
	_ =	sdelay $0x3  }
0x33: {  	p0 =	seq.s32 s10, $0x1;
	s10 =	sld [smem:$0x3FB2];
	_ =	sdelay $0x3  }
0x34: {  	[smem:$0x3FB2] =	sst s10  }
0x35: {  	s10 =	sld [smem:$0x3FB1];
	_ =	sdelay $0x3  }
0x36: {  	p1 =	seq.s32 s10, $0x1;
	s10 =	sld [smem:$0x3FB2];
	_ =	sdelay $0x3  }
0x37: {  	[smem:$0x3FB2] =	sst s10  }
0x38: {  	s10 =	sld [smem:$0x3FB3]  }
0x39: {  	_ = 	snop;
	(pc) =	sbr.ind lr, $3  }
0x3a: {  	_ = 	snop  }
0x3b: {  	_ = 	snop  }
0x3c: {  	p2 =	seq.s32 s10, $0x1;
	s10 =	sld [smem:$0x3FB2]  }
0x3d: {  	_ =	shalt  }
0x3e: {  	_ =	shalt  }
0x3f: {  	_ =	shalt  }
0x40: {  	_ =	shalt  }
0x41: {  	_ =	shalt  }
0x42: {  	_ =	shalt  }
0x43: {  	_ =	shalt  }
0x44: {  	_ =	shalt  }
0x45: {  	_ =	shalt  }
0x46: {  	_ =	shalt  }
0x47: {  	_ =	shalt  }
0x48: {  	_ =	shalt  }
0x49: {  	_ =	shalt  }
0x4a: {  	_ =	shalt  }
0x4b: {  	_ =	shalt  }
0x4c: {  	_ =	shalt  }
0x4d: {  	_ =	shalt  }
0x4e: {  	_ =	shalt  }
0x4f: {  	_ =	shalt  }
0x50: {  	_ =	shalt  }
0x51: {  	_ =	shalt  }
0x52: {  	_ =	shalt  }
0x53: {  	_ =	shalt  }
0x54: {  	_ =	shalt  }
0x55: {  	_ =	shalt  }
0x56: {  	_ =	shalt  }
0x57: {  	_ =	shalt  }
0x58: {  	_ =	shalt  }
0x59: {  	_ =	shalt  }
0x5a: {  	_ =	shalt  }
0x5b: {  	_ =	shalt  }
0x5c: {  	_ =	shalt  }
0x5d: {  	_ =	shalt  }
0x5e: {  	_ =	shalt  }
0x5f: {  	_ =	shalt  }
0x60: {  	_ =	shalt  }
0x61: {  	_ =	shalt  }
0x62: {  	_ =	shalt  }
0x63: {  	_ =	shalt  }
0x64: {  	_ =	shalt  }
0x65: {  	_ =	shalt  }
0x66: {  	_ =	shalt  }
0x67: {  	_ =	shalt  }
0x68: {  	_ =	shalt  }
0x69: {  	_ =	shalt  }
0x6a: {  	_ =	shalt  }
0x6b: {  	_ =	shalt  }
0x6c: {  	_ =	shalt  }
0x6d: {  	_ =	shalt  }
0x6e: {  	_ =	shalt  }
0x6f: {  	_ =	shalt  }
0x70: {  	_ =	shalt  }
0x71: {  	_ =	shalt  }
0x72: {  	_ =	shalt  }
0x73: {  	_ =	shalt  }
0x74: {  	_ =	shalt  }
0x75: {  	_ =	shalt  }
0x76: {  	_ =	shalt  }
0x77: {  	_ =	shalt  }
0x78: {  	_ =	shalt  }
0x79: {  	_ =	shalt  }
0x7a: {  	_ =	shalt  }
0x7b: {  	_ =	shalt  }
0x7c: {  	_ =	shalt  }
0x7d: {  	_ =	shalt  }
0x7e: {  	_ =	shalt  }
0x7f: {  	_ =	shalt  }
0x80: {  	_ =	shalt  }
0x81: {  	_ =	shalt  }
0x82: {  	_ =	shalt  }
0x83: {  	_ =	shalt  }
0x84: {  	_ =	shalt  }
0x85: {  	_ =	shalt  }
0x86: {  	_ =	shalt  }
0x87: {  	_ =	shalt  }
.Lfunc_end0:
.L_simem_size_0:
called_computation_lowered:
.L_overlay_start_0:
0x88: {  	s2 =	sld [smem:$0x3FD9]  }
0x89: {  	s3 =	sld [smem:$0x3FFE];
	_ =	sdelay $0x1  }
0x8a: {  	s1 =	srdreg.scid  }
0x8b: {  	s0 =	sand.u32 $0x1, s1  }
0x8c: {  	s17 =	sshll.u32 s0, $0xA;
	s2 =	sadd.s32 s3, s2  }
0x8d: {  	s2 =	sadd.s32 s2, s17  }
0x8e: {  	[smem:$0x3FBE] =	sst s2  }
0x8f: {  	_ = 	snop  }
0x90: {  	s2 =	sld [smem:$0x3FD0];
	(tm) =	ssettm $0x1  }
0x91: {  	s18 =	sld [smem:$0x3FFB];
	_ =	sdelay $0x3  }
0x92: {  	_ =	strace s18  }
0x93: {  	s3 =	sld [smem:$0x3FFC];
	_ =	sdelay $0x3  }
0x94: {  	_ =	strace s3  }
0x95: {  	s3 =	sld [smem:$0x3FFD];
	_ =	sdelay $0x3  }
0x96: {  	_ =	strace s3  }
0x97: {  	_ =	strace $0x8FFFFFFF  }
0x98: {  	s19 =	sld [smem:$0x3FDB];
	_ =	sdelay $0x1  }
0x99: {  	s4 =	simm.s32 $_scs_section_size  }
0x9a: {  	s5 =	simm.s32 $_size__tile_overlayer_lowered;
	s6 =	simm.s32 $_tile_overlayer_lowered  }
0x9b: {  	s22 =	simm.s32 $0x1BFF;
	s21 =	sshll.u32 s6, $0x1;
	s3 =	sadd.s32 s4, s19  }
0x9c: {  	s7 =	simm.s32 $0x0;
	s20 =	sshll.u32 s5, $0x1;
	s5 =	sadd.s32 s21, s3  }
0x9d: {  	[timem:s7], [sflag:s22] =	dma.local [hbm:s5], s20  }
0x9e: {  	_ =	swait.ge [sflag:s22], s20  }
0x9f: {  	s4 =	ssub.s32 $0x0, s20;
	[sflag:s22] =	ssyncset.done $0x0  }
0xa0: {  	[sflag:s22] =	ssyncadd.s32 s4;
	_ =	sdelay $0x1  }
0xa1: {  	s23 =	simm.s32 $0x1B8B  }
0xa2: {  	_ =	swait.ge [sflag:s23], $0x1  }
0xa3: {  	[sflag:s23] =	ssyncset.done $0x0  }
0xa4: {  	s25 =	simm.s32 $0x1B8E;
	s24 =	sld [smem:$0x3FFE];
	[sflag:s23] =	ssyncadd.s32 $0xFFFFFFFF  }
0xa5: {  	s26 =	simm.s32 $execute0_lowered;
	[smem:$0x3FD2] =	sst s25  }
0xa6: {  	s5 =	sshll.u32 s26, $0x1;
	_ =	strace $0x80000046;
	[dreg:$0x1] =	wrdreg $0xFFFFFFFF  }
0xa7: {  	s28 =	simm.s32 $_size_execute0_lowered;
	s3 =	sadd.s32 s3, s5;
	[dreg:$0x0] =	wrdreg $0x0  }
0xa8: {  	s5 =	sshll.u32 s28, $0x1;
	[dreg:$0x2] =	wrdreg s3  }
0xa9: {  	[dreg:$0x3] =	wrdreg s5  }
0xaa: {  	[dreg:$0x4] =	wrdreg $0xC0  }
0xab: {  	_ =	task [dreg:s7], $0x5FFFF  }
0xac: {  	[dreg:$0x1] =	wrdreg $0xFFFFFFFF  }
0xad: {  	[dreg:$0x0] =	wrdreg $0x60  }
0xae: {  	[dreg:$0x2] =	wrdreg s24  }
0xaf: {  	[dreg:$0x3] =	wrdreg s2  }
0xb0: {  	[dreg:$0x4] =	wrdreg $0xE8800  }
0xb1: {  	[dreg:$0x5] =	wrdreg $0x9  }
0xb2: {  	_ =	task.clear_ibuf [dreg:s7], $0x6FFFF;
	_ =	strace $0x90000046  }
0xb3: {  	s29 =	simm.s32 $0x9;
	_ =	strace $0x8000004B  }
0xb4: {  	_ =	swait.ge [sflag:s29], $0x1  }
0xb5: {  	[sflag:s29] =	ssyncadd.s32 $0xFFFFFFFF  }
0xb6: {  	_ =	strace $0x9000004B  }
0xb7: {  	_ =	sfence  }
0xb8: {  	s30 =	sld [smem:$0x0];
	_ =	sdelay $0x2  }
0xb9: {  	s31 =	sshll.u32 s1, $0xD;
	s1 =	sshrl.u32 s1, $0x2  }
0xba: {  	s3 =	sand.u32 $0x4000, s31;
	s1 =	sadd.s32 s1, s30  }
0xbb: {  	s0 =	sor.u32 s3, s0;
	s1 =	sshll.u32 s1, $0x11  }
0xbc: {  	s0 =	sor.u32 s1, s0  }
0xbd: {  	s0 =	sadd.s32 $0x8F2B, s0  }
0xbe: {  	[sflag:s0] =	ssyncadd.remote.s32 $0x1  }
0xbf: {  	_ =	sfence.sel $0xFFFF  }
0xc0: {  	[dreg:$0x0] =	wrdreg $0xFFFFFFFF;
	(pc) =	sbr.abs _section_cstart, $3  }
0xc1: {  	[dreg:$0x1] =	wrdreg $0xFFFFFFFF  }
0xc2: {  	_ =	task.clear_ibuf [dreg:s7], $0x2FFFF;
	_ =	strace $0x9FFFFFFF  }
0xc3: {  	(tm) =	ssettm $0x7FFFFFFF  }
tec
execute0_lowered:
.L_overlay_start_1:
0x0: {  	(tag) =	ssettag $0x1  }
0x1: {  	s6 =	rddreg [dreg:$0x0]  }
0x2: {  	s8 =	rddreg [dreg:$0x1]  }
0x3: {  	s1 =	rddreg [dreg:$0x2]  }
0x4: {  	s0 =	rddreg [dreg:$0x3]  }
0x5: {  	s2 =	simm.s32 $0x0;
	s5 =	srdreg.scid;
	s11 =	stileid.u32  }
0x6: {  	s16 =	simm.s32 $0x2780;
	s17 =	simm.s32 $0xA080;
	s18 =	simm.s32 $0x1  }
0x7: {  	s19 =	simm.s32 $0xA000;
	s20 =	simm.s32 $0x0;
	[smem:$0x7FF] =	sst s2  }
0x8: {  	s7 =	sadd.s32 $0x2800, s6;
	s3 =	sadd.s32 $0x16400, s6;
	s4 =	sadd.s32 $0x3D800, s6  }
0x9: {  	s9 =	sand.u32 $0x1, s5;
	s5 =	sadd.s32 $0x3D600, s6;
	s13 =	sshrl.u32 s11, $0x2  }
0xa: {  	s14 =	sshll.u32 s11, $0x8;
	p0 =	sne.s32 s11, $0x0;
	_ =	strace $0x80000047  }
0xb: {  	s10 =	smul.u32 $0x7D00, s9;
	s12 =	ssub.s32 $0x2, s9;
	s9 =	sshll.u32 s9, $0x7  }
0xc: {  	s14 =	sand.u32 $0x300, s14;
	s15 =	smul.u32 $0x13C00, s13;
	s13 =	sshll.u32 s13, $0xE  }
0xd: {  	s11 =	sshrl.u32 @!p0 s1, $0x3;
	s28 =	sshrl.u32 s12, $0x1;
	s9 =	sor.u32 s9, s14  }
0xe: {  	s14 =	simm.s32 $0x80;
	s10 =	sadd.s32 s10, s6;
	s12 =	ssub.s32 s12, s28  }
.Ltmp0:
0xf: {  	s29 =	sor.u32 s15, s9;
	s9 =	sor.u32 s13, s9;
	(pc) =	sbr.rel .LBB2_1-.Ltmp0, $4  }
0x10: {  	s13 =	simm.s32 $0x2;
	s30 =	sshrl.u32 s29, $0x3;
	s15 =	sadd.s32 $0x4F000, s29  }
0x11: {  	s9 =	sshrl.u32 s9, $0x3;
	s6 =	sadd.s32 s7, s30;
	s31 =	sshrl.u32 s15, $0x3  }
0x12: {  	s8 =	sadd.s32 s8, s9;
	s9 =	sadd.s32 $0x45600, s10;
	s10 =	smax.u32 s12, $0x1  }
0x13: {  	v0 =	vimm.f32 $1.000000000e+00;
	v1 =	vimm.s32 $0x0;
	v2 =	vimm.s32 $0x7D0;
	s12 =	simm.s32 $0xE080;
	s15 =	simm.s32 $0x400;
	s7 =	sadd.s32 s7, s31  }
.LBB2_6:
0x14: {  	[sflag:s13] =	ssyncadd.s32 $0xFFFFC000  }
.LBB2_7:
0x15: {  	_ =	strace $0x9000004A  }
0x16: {  	[hbm4b:s8+s14] =	stream.strided.scatter [tilespmem:s12], [sflag:$0x2], $0x800, s15, s14, $0x38;
	[tilespmem:$0x12740] =	vst v63  }
0x17: {  	_ =	swait.ge [sflag:s13], $0x800  }
0x18: {  	[sflag:s13] =	ssyncset.done $0x0  }
0x19: {  	s20 =	sadd.s32 $0x1, s20;
	[sflag:s13] =	ssyncadd.s32 $0xFFFFF800  }
0x1a: {  	s21 =	simm.s32 @!p0 $0x1C02;
	p1 =	sne.s32 s20, s10;
	[bflag:$0x0] =	sbarrier.arrive $0xFFFF  }
0x1b: {  	[hbm:s9], [sflag:s21] =	dma.local @!p0 [spmem:s11], $0x7D00  }
.Ltmp1:
0x1c: {  	_ = 	snop;
	(pc) =	sbr.rel @!p1 .LBB2_8-.Ltmp1, $4  }
0x1d: {  	s21 =	simm.s32 @!p0 $0x2  }
0x1e: {  	_ =	swait.ge @!p0 [sflag:s21], $0x7D00  }
0x1f: {  	[sflag:s21] =	ssyncset.done @!p0 $0x0  }
0x20: {  	[sflag:s21] =	ssyncadd.s32 @!p0 $0xFFFF8300  }
.LBB2_1:
0x21: {  	_ =	strace $0x80000048;
	s21 =	simm.s32 @!p0 $0x1C02  }
0x22: {  	[spmem:s11], [sflag:s21] =	dma.local @!p0 [hbm:s4], $0x7D80  }
0x23: {  	s21 =	simm.s32 @!p0 $0x2  }
0x24: {  	_ =	swait.ge @!p0 [sflag:s21], $0x7D80  }
0x25: {  	[sflag:s21] =	ssyncset.done @!p0 $0x0  }
0x26: {  	[sflag:s21] =	ssyncadd.s32 @!p0 $0xFFFF8280  }
0x27: {  	[tilespmem:s12], [sflag:$0x2] =	stream.linear.gather [hbm4b:s5+s2], $0x800, $0x200038;
	[tilespmem:$0x12740] =	vst v63  }
0x28: {  	_ =	swait.ge [sflag:s13], $0x800  }
0x29: {  	[sflag:s13] =	ssyncset.done $0x0  }
0x2a: {  	[sflag:s13] =	ssyncadd.s32 $0xFFFFF800  }
0x2b: {  	[bflag:$0x0] =	sbarrier.arrive $0xFFFF  }
0x2c: {  	[tilespmem:s2], [sflag:$0x2] =	stream.strided.gather [hbm4b:s6+s14], $0x2780, s15, s14, $0x200038;
	[tilespmem:$0x12740] =	vst v63  }
0x2d: {  	_ =	swait.ge [sflag:s13], $0x2780  }
0x2e: {  	[sflag:s13] =	ssyncset.done $0x0  }
0x2f: {  	[sflag:s13] =	ssyncadd.s32 $0xFFFFD880  }
0x30: {  	[tilespmem:s16], [sflag:$0x2] =	stream.strided.gather [hbm4b:s7+s14], $0x2780, s15, s14, $0x200038;
	[tilespmem:$0x12740] =	vst v63  }
0x31: {  	_ =	swait.ge [sflag:s13], $0x2780  }
0x32: {  	[sflag:s13] =	ssyncset.done $0x0  }
0x33: {  	[sflag:s13] =	ssyncadd.s32 $0xFFFFD880  }
0x34: {  	_ =	strace $0x90000048  }
0x35: {  	s31 =	simm.s32 $0x0;
	_ =	strace $0x80000049  }
0x36: {  	v3 =	vld [tilespmem:s31+$0x2780];
	_ =	sdelay $0x4  }
0x37: {  	vm0 =	vlt.s32 v3, $0x7D0  }
0x38: {  	v4 =	vsel vm0, $0x1, v1  }
0x39: {  	(xrf0) =	vadd.scan.msk.s32 $0xffff, v4;
	_ =	sdelay $0x4  }
0x3a: {  	v5 =	vld [tilespmem:s31+$0x0]  }
0x3b: {  	vm1 =	vlt.s32 v3, $0x7FF;
	v4, _, _ =	vpop (xrf0)  }
0x3c: {  	(v2sf) =	vpush v4, $0xF;
	v4 =	vnsel vm1, $0x7FF, v3;
	_ =	sdelay $0x2  }
0x3d: {  	[tilespmem:s2+$0x4F00] =	vst.msk vm0, v5  }
0x3e: {  	[tilespmem:s2+$0x7780] =	vst.msk vm0, v3  }
0x3f: {  	s22 =	simm.s32 $0x10;
	[tilespmem:v4+s12+$0x0] =	vst.idx.add.f32.msk vm0, v0  }
0x40: {  	v3 =	vld [tilespmem:s22+$0x2780];
	_ =	sdelay $0x4  }
0x41: {  	vm0 =	vlt.s32 v3, $0x7D0  }
0x42: {  	v5 =	vsel vm0, $0x1, v1  }
0x43: {  	(xrf0) =	vadd.scan.msk.s32 $0xffff, v5;
	_ =	sdelay $0x1  }
0x44: {  	v5 =	vld [tilespmem:s22+$0x0]  }
0x45: {  	vm1 =	vlt.s32 v3, $0x7FF  }
0x46: {  	s21 =	simm.s32 $0x80;
	v4 =	vnsel vm1, $0x7FF, v3;
	s22 =	simm.s32 $0x0;
	s23 =	spop (v2sf)  }
.LBB2_2:
0x47: {  	p1 =	sne.s32 s21, $0x9C00  }
0x48: {  	v6, _, _ =	vpop (xrf0);
	s22 =	sadd.s32 s22, s23;
	s23 =	smov.u32 s21;
	s21 =	sadd.s32 $0x40, s21  }
0x49: {  	[tilespmem:s22+$0x4F00] =	vst.msk vm0, v5;
	(v2sf) =	vpush v6, $0xF  }
0x4a: {  	[tilespmem:s22+$0x7780] =	vst.msk vm0, v3  }
0x4b: {  	s23 =	sshra.s32 s23, $0x2;
	[tilespmem:v4+s12+$0x0] =	vst.idx.add.f32.msk vm0, v0  }
0x4c: {  	v3 =	vld [tilespmem:s23+$0x2780];
	_ =	sdelay $0x4  }
0x4d: {  	vm0 =	vlt.s32 v3, $0x7D0;
	vm1 =	vlt.s32 v3, $0x7FF  }
0x4e: {  	v4 =	vnsel vm1, $0x7FF, v3;
	v5 =	vsel vm0, $0x1, v1  }
0x4f: {  	(xrf0) =	vadd.scan.msk.s32 $0xffff, v5  }
.Ltmp2:
0x50: {  	(pc) =	sbr.rel @p1 .LBB2_2-.Ltmp2, $2  }
0x51: {  	v5 =	vld [tilespmem:s23+$0x0];
	_ =	sdelay $0x2  }
0x52: {  	s23 =	spop (v2sf)  }
0x53: {  	v6, _, _ =	vpop (xrf0)  }
0x54: {  	(v2sf) =	vpush v6, $0xF;
	_ =	sdelay $0xc  }
0x55: {  	s21 =	sadd.s32 s22, s23  }
0x56: {  	[tilespmem:s21+$0x4F00] =	vst.msk vm0, v5  }
0x57: {  	[tilespmem:s21+$0x7780] =	vst.msk vm0, v3;
	s31 =	spop (v2sf)  }
0x58: {  	[tilespmem:v4+s12+$0x0] =	vst.idx.add.f32.msk vm0, v0;
	s21 =	sadd.s32 s21, s31  }
0x59: {  	_ =	strace $0x90000049;
	[tilespmem:s21+$0x4F00] =	vst v1  }
0x5a: {  	[tilespmem:s21+$0x7780] =	vst v2  }
0x5b: {  	[tilespmem:s21+$0x4F10] =	vst v1  }
0x5c: {  	[tilespmem:s21+$0x7790] =	vst v2  }
0x5d: {  	[tilespmem:s21+$0x4F20] =	vst v1  }
0x5e: {  	[tilespmem:s21+$0x77A0] =	vst v2  }
0x5f: {  	[tilespmem:s21+$0x4F30] =	vst v1  }
0x60: {  	[tilespmem:s21+$0x77B0] =	vst v2  }
0x61: {  	[tilespmem:s21+$0x4F40] =	vst v1  }
0x62: {  	[tilespmem:s21+$0x77C0] =	vst v2;
	s22 =	sadd.s32 $0x7F, s21  }
0x63: {  	[tilespmem:s21+$0x4F50] =	vst v1;
	s23 =	sshrl.u32 s22, $0x7  }
0x64: {  	[tilespmem:s21+$0x77D0] =	vst v2;
	p1 =	seq.s32 s23, $0x0  }
.Ltmp3:
0x65: {  	[tilespmem:s21+$0x4F60] =	vst v1;
	(pc) =	sbr.rel @p1 .LBB2_7-.Ltmp3, $4  }
0x66: {  	[tilespmem:s21+$0x77E0] =	vst v2  }
0x67: {  	[tilespmem:s21+$0x4F70] =	vst v1  }
0x68: {  	[tilespmem:s21+$0x77F0] =	vst v2  }
0x69: {  	_ =	strace $0x8000004A  }
0x6a: {  	s21 =	simm.s32 $0x4F00;
	s22 =	simm.s32 $0x77C0  }
0x6b: {  	[tilespmem:s17], [sflag:$0x1] =	stream.indirect.gather [hbm4b:s3+s14], $0x80, s21, s14, $0x2000b8;
	[tilespmem:$0x12740] =	vst v63  }
0x6c: {  	v3 =	vld [tilespmem:s22+$0xFFFFFFC0];
	_ =	sdelay $0x4  }
0x6d: {  	[tilespmem:$0xA000] =	vst v3  }
0x6e: {  	v3 =	vld [tilespmem:s22+$0xFFFFFFD0];
	_ =	sdelay $0x4  }
0x6f: {  	[tilespmem:$0xA010] =	vst v3  }
0x70: {  	v3 =	vld [tilespmem:s22+$0xFFFFFFE0];
	_ =	sdelay $0x4  }
0x71: {  	[tilespmem:$0xA020] =	vst v3  }
0x72: {  	v3 =	vld [tilespmem:s22+$0xFFFFFFF0];
	_ =	sdelay $0x4  }
0x73: {  	[tilespmem:$0xA030] =	vst v3  }
0x74: {  	v3 =	vld [tilespmem:s22+$0x0];
	_ =	sdelay $0x4  }
0x75: {  	[tilespmem:$0xA040] =	vst v3  }
0x76: {  	v3 =	vld [tilespmem:s22+$0x10];
	_ =	sdelay $0x4  }
0x77: {  	[tilespmem:$0xA050] =	vst v3  }
0x78: {  	v3 =	vld [tilespmem:s22+$0x20];
	_ =	sdelay $0x4  }
0x79: {  	[tilespmem:$0xA060] =	vst v3  }
0x7a: {  	v3 =	vld [tilespmem:s22+$0x30];
	_ =	sdelay $0x4  }
0x7b: {  	[tilespmem:$0xA070] =	vst v3  }
0x7c: {  	p1 =	sne.s32 s23, $0x1;
	_ =	swait.ge [sflag:s18], $0x4000  }
.Ltmp4:
0x7d: {  	[sflag:s18] =	ssyncset.done $0x0;
	(pc) =	sbr.rel @!p1 .LBB2_6-.Ltmp4, $4  }
0x7e: {  	[sflag:s18] =	ssyncadd.s32 $0xFFFFC000  }
0x7f: {  	[spmem:s1] =	stream.indirect.scatter.add.f32 [tilespmem:s17], [sflag:$0x2], $0x80, s19, s14, $0x2000b8;
	[tilespmem:$0x12740] =	vst v63  }
0x80: {  	_ =	swait.ge [sflag:s13], $0x4000  }
0x81: {  	s23 =	sadd.s32 $0xFFFFFFFF, s23;
	[sflag:s13] =	ssyncset.done $0x0  }
.LBB2_5:
0x82: {  	[sflag:s13] =	ssyncadd.s32 $0xFFFFC000;
	s21 =	sadd.s32 $0x80, s21;
	s22 =	sadd.s32 $0x80, s22  }
0x83: {  	[tilespmem:s17], [sflag:$0x1] =	stream.indirect.gather [hbm4b:s3+s14], $0x80, s21, s14, $0x2000b8;
	[tilespmem:$0x12740] =	vst v63  }
0x84: {  	p1 =	sne.s32 s23, $0x1;
	s23 =	sadd.s32 $0xFFFFFFFF, s23;
	v3 =	vld [tilespmem:s22+$0xFFFFFFC0];
	_ =	sdelay $0x4  }
0x85: {  	[tilespmem:$0xA000] =	vst v3  }
0x86: {  	v3 =	vld [tilespmem:s22+$0xFFFFFFD0];
	_ =	sdelay $0x4  }
0x87: {  	[tilespmem:$0xA010] =	vst v3  }
0x88: {  	v3 =	vld [tilespmem:s22+$0xFFFFFFE0];
	_ =	sdelay $0x4  }
0x89: {  	[tilespmem:$0xA020] =	vst v3  }
0x8a: {  	v3 =	vld [tilespmem:s22+$0xFFFFFFF0];
	_ =	sdelay $0x4  }
0x8b: {  	[tilespmem:$0xA030] =	vst v3  }
0x8c: {  	v3 =	vld [tilespmem:s22+$0x0];
	_ =	sdelay $0x4  }
0x8d: {  	[tilespmem:$0xA040] =	vst v3  }
0x8e: {  	v3 =	vld [tilespmem:s22+$0x10];
	_ =	sdelay $0x4  }
0x8f: {  	[tilespmem:$0xA050] =	vst v3  }
0x90: {  	v3 =	vld [tilespmem:s22+$0x20];
	_ =	sdelay $0x4  }
0x91: {  	[tilespmem:$0xA060] =	vst v3  }
0x92: {  	v3 =	vld [tilespmem:s22+$0x30];
	_ =	sdelay $0x4  }
0x93: {  	[tilespmem:$0xA070] =	vst v3  }
0x94: {  	_ =	swait.ge [sflag:s18], $0x4000  }
.Ltmp5:
0x95: {  	[sflag:s18] =	ssyncset.done $0x0;
	(pc) =	sbr.rel @p1 .LBB2_5-.Ltmp5, $4  }
0x96: {  	[sflag:s18] =	ssyncadd.s32 $0xFFFFC000  }
0x97: {  	[spmem:s1] =	stream.indirect.scatter.add.f32 [tilespmem:s17], [sflag:$0x2], $0x80, s19, s14, $0x2000b8;
	[tilespmem:$0x12740] =	vst v63  }
0x98: {  	_ =	swait.ge [sflag:s13], $0x4000  }
0x99: {  	[sflag:s13] =	ssyncset.done $0x0  }
.Ltmp6:
0x9a: {  	_ = 	snop;
	(pc) =	sbr.rel .LBB2_6-.Ltmp6, $1  }
0x9b: {  	_ =	sdelay $0x3  }
.LBB2_8:
0x9c: {  	_ =	sfence.sel $0x180000  }
0x9d: {  	[bflag:$0x0] =	sbarrier.arrive $0xFFFF  }
0x9e: {  	_ =	strace $0x90000047  }
0x9f: {  	s0 =	sadd.s32 @!p0 $0x100000, s0;
	[bflag:$0x2] =	sbarrier.arrive $0xFFFF  }
0xa0: {  	[sflag:s0] =	ssyncadd.tile.s32 @!p0 $0x1;
	_ =	shalt  }
.Lfunc_end2:
_tile_overlayer_lowered:
.L_overlay_start_2:
0xa1: {  	(tag) =	ssettag $0x2  }
0xa2: {  	s0 =	rddreg [dreg:$0x0];
	s2 =	stileid.u32  }
0xa3: {  	s1 =	rddreg [dreg:$0x1];
	p0 =	sne.s32 s2, $0x0  }
0xa4: {  	s3 =	rddreg [dreg:$0x2];
	[bflag:$0x3] =	sbarrier.arrive $0xFFFF;
	s2 =	simm.s32 @!p0 $0x1C02  }
0xa5: {  	[timem:s3], [sflag:s2] =	dma.local @!p0 [hbm:s0], s1  }
0xa6: {  	s0 =	simm.s32 @!p0 $0x2  }
0xa7: {  	_ =	swait.ge @!p0 [sflag:s0], s1  }
0xa8: {  	s1 =	ssub.s32 @!p0 $0x0, s1;
	[sflag:s0] =	ssyncset.done @!p0 $0x0  }
0xa9: {  	[sflag:s0] =	ssyncadd.s32 @!p0 s1  }
0xaa: {  	[bflag:$0x3] =	sbarrier.arrive $0xFFFF  }
0xab: {  	_ =	shalt  }

</sc_bundles>
